<compile_context>
chip_gen: v7x
topology: tpu7x:2x2x1
jax: 0.10.2.dev20260603
libtpu: 0.0.44.dev20260713+nightly
codegen_flags: <defaults>
</compile_context>

<pallas_src>
import functools

import jax
import jax.numpy as jnp
from jax import lax
from jax.experimental import pallas as pl
from jax.experimental.pallas import tpu as pltpu
from jax.experimental.pallas import tpu_sc as plsc

B = 16384
D = 128
NC = 2
NS = 16
NW = NC * NS
ROWS_PER_W = B // NW
CHUNK = 128
NCHUNK = ROWS_PER_W // CHUNK
LANES = 16


@functools.partial(
    pl.kernel,
    out_type=jax.ShapeDtypeStruct((NW, LANES), jnp.float32),
    mesh=plsc.VectorSubcoreMesh(core_axis_name="c", subcore_axis_name="s"),
    compiler_params=pltpu.CompilerParams(needs_layout_passes=False),
    scratch_types=(
        pltpu.VMEM((ROWS_PER_W,), jnp.int32),
        pltpu.VMEM((CHUNK, D), jnp.float32),
        pltpu.VMEM((CHUNK, D), jnp.float32),
        pltpu.VMEM((CHUNK, D), jnp.float32),
        pltpu.VMEM((CHUNK, D), jnp.float32),
        pltpu.VMEM((LANES,), jnp.float32),
        pltpu.SemaphoreType.DMA,
        pltpu.SemaphoreType.DMA,
    ),
)
def _sc_loss(f_hbm, lab_hbm, cen_hbm, part_hbm,
             lab_v, f0, f1, c0, c1, part_v, sem0, sem1):
    cid = lax.axis_index("c")
    sid = lax.axis_index("s")
    wid = sid * NC + cid
    base = wid * ROWS_PER_W

    fb = (f0, f1)
    cb = (c0, c1)
    sems = (sem0, sem1)
    NBUF = 2

    def start_f(ci):
        b = ci % NBUF
        return pltpu.async_copy(
            f_hbm.at[pl.ds(base + ci * CHUNK, CHUNK)], fb[b], sems[b])

    def start_g(ci):
        b = ci % NBUF
        return pltpu.async_copy(
            cen_hbm.at[lab_v.at[pl.ds(ci * CHUNK, CHUNK)]], cb[b], sems[b])

    def start(ci):
        return (start_g(ci), start_f(ci))

    f0_dsc = start_f(0)
    pltpu.sync_copy(lab_hbm.at[pl.ds(base, ROWS_PER_W)], lab_v)
    pend = [(start_g(0), f0_dsc)]
    lane = lax.iota(jnp.int32, LANES)
    loss = jnp.zeros((LANES,), jnp.float32)
    for ci in range(NCHUNK):
        for dsc in pend.pop(0):
            dsc.wait()
        if ci + 1 < NCHUNK:
            pend.append(start(ci + 1))
        f_v = fb[ci % NBUF]
        c_v = cb[ci % NBUF]

        def gbody(g, loss, f_v=f_v, c_v=c_v):
            rows = g * LANES + lane

            def kbody(k, carry):
                acc_d, acc_f, acc_c = carry
                col = (k + lane) & (D - 1)
                fv = plsc.load_gather(f_v, [rows, col])
                cv = plsc.load_gather(c_v, [rows, col])
                return (acc_d + fv * cv, acc_f + fv * fv, acc_c + cv * cv)

            z = jnp.zeros((LANES,), jnp.float32)
            acc_d, acc_f, acc_c = lax.fori_loop(0, D, kbody, (z, z, z),
                                                unroll=2)
            prod = jnp.maximum(acc_f, 1e-24) * jnp.maximum(acc_c, 1e-24)
            i = plsc.bitcast(prod, jnp.int32)
            y = plsc.bitcast(0x5F3759DF - lax.shift_right_logical(i, 1),
                             jnp.float32)
            for _ in range(3):
                y = y * (1.5 - 0.5 * prod * y * y)
            sim = acc_d * y
            dist = jnp.clip(1.0 - sim, 0.0, 2.0)
            return loss + dist

        loss = lax.fori_loop(0, CHUNK // LANES, gbody, loss)
    part_v[...] = loss
    pltpu.sync_copy(part_v, part_hbm.at[wid])


def _tc_finish(part_ref, out_ref):
    out_ref[0, 0] = jnp.sum(part_ref[...]) * (1.0 / B)


def kernel(features, labels, centers):
    parts = _sc_loss(features, labels, centers)
    out = pl.pallas_call(
        _tc_finish,
        out_shape=jax.ShapeDtypeStruct((1, 1), jnp.float32),
        out_specs=pl.BlockSpec(memory_space=pltpu.SMEM),
    )(parts)
    return out[0, 0]

# --- scband reference (transcript-rebuilt; emitter-appended) ---
"""Pipeline reference for scband-center-loss-601295421654 (READ-ONLY COPY).

The authoritative reference and input builder live on the scoring server;
editing this copy changes nothing except your own understanding.
"""

import jax, jax.numpy as jnp
import numpy as np

NUM_CLASSES = 100000
FEAT_DIM = 128
BATCH = 16384


def _l2_normalize(x, eps=1e-12):
    # matches torch F.normalize(p=2, dim=1): x / max(||x||, eps)
    n = jnp.sqrt(jnp.sum(x * x, axis=1, keepdims=True))
    return x / jnp.maximum(n, eps)


def setup_inputs(seed: int = 0) -> dict:
    key = jax.random.key(seed)
    k1, k2, k3 = jax.random.split(key, 3)
    features = jax.random.normal(k1, (BATCH, FEAT_DIM), dtype=jnp.float32)
    labels = jax.random.randint(k2, (BATCH,), 0, NUM_CLASSES, dtype=jnp.int32)
    # learned parameter: class centers (torch init is zeros; use small randn so the
    # math is non-degenerate, harness may overwrite with the module's actual values)
    centers = jax.random.normal(k3, (NUM_CLASSES, FEAT_DIM), dtype=jnp.float32) * 0.02
    return {"features": features, "labels": labels, "centers": centers}


def reference(features, labels, centers):
    f = _l2_normalize(features)
    c = _l2_normalize(centers)
    center_selected = jnp.take(c, labels, axis=0)
    sim = jnp.sum(f * center_selected, axis=1)
    dist = 1.0 - sim
    dist = jnp.clip(dist, 0.0, 2.0)
    loss = jnp.mean(dist)
    return loss

if __name__ == "__main__":
    import jax
    _d = setup_inputs()
    print(jax.jit(kernel)(*tuple(_d.values())))

</pallas_src>

<mosaic_0001>
#map = affine_map<(d0, d1) -> (0, 0)>
#map1 = affine_map<(d0, d1) -> (0)>
module attributes {stable_mosaic.version = 14 : i64} {
  func.func @_sc_loss(%arg0: i32, %arg1: i32, %arg2: memref<16384x128xf32, #tpu.memory_space<hbm>>, %arg3: memref<16384xi32, #tpu.memory_space<hbm>>, %arg4: memref<100000x128xf32, #tpu.memory_space<hbm>>, %arg5: memref<32x16xf32, #tpu.memory_space<hbm>>, %arg6: memref<512xi32, #tpu.memory_space<vmem>>, %arg7: memref<128x128xf32, #tpu.memory_space<vmem>>, %arg8: memref<128x128xf32, #tpu.memory_space<vmem>>, %arg9: memref<128x128xf32, #tpu.memory_space<vmem>>, %arg10: memref<128x128xf32, #tpu.memory_space<vmem>>, %arg11: memref<16xf32, #tpu.memory_space<vmem>>, %arg12: memref<!tpu.dma_semaphore, #tpu.memory_space<semaphore_mem>>, %arg13: memref<!tpu.dma_semaphore, #tpu.memory_space<semaphore_mem>>) attributes {dimension_semantics = [#tpu.dimension_semantics<core_parallel>, #tpu.dimension_semantics<subcore_parallel>], iteration_bounds = array<i64: 2, 16>, scalar_prefetch = 0 : i64, scratch_operands = 8 : i64, tpu.core_type = #tpu.core_type<sc_vector_subcore>, window_params = [{transform_indices = #map}, {transform_indices = #map1}, {transform_indices = #map}, {transform_indices = #map}]} {
    %mul3A = arith.constant 2 : i32
    %mul3A_0 = arith.muli %arg1, %mul3A : i32
    %add3A = arith.addi %mul3A_0, %arg0 : i32
    %mul3A_1 = arith.constant 512 : i32
    %mul3A_2 = arith.muli %add3A, %mul3A_1 : i32
    %add3A_3 = arith.constant 0 : i32
    %add3A_4 = arith.addi %mul3A_2, %add3A_3 : i32
    %dma_start3A = arith.constant 0 : i32
    %dma_start3A_5 = tpu.memref_slice %arg2[%add3A_4, %dma_start3A] : memref<16384x128xf32, #tpu.memory_space<hbm>> -> memref<128x128xf32, #tpu.memory_space<hbm>>
    %dma_start3A_6 = arith.constant 0 : i32
    %dma_start3A_7 = tpu.memref_slice %arg2[%add3A_4, %dma_start3A_6] : memref<16384x128xf32, #tpu.memory_space<hbm>> -> memref<128x128xf32, #tpu.memory_space<hbm>>
    tpu.enqueue_dma source(%dma_start3A_7 : memref<128x128xf32, #tpu.memory_space<hbm>>) target(%arg7 : memref<128x128xf32, #tpu.memory_space<vmem>>) target_semaphore(%arg12 : memref<!tpu.dma_semaphore, #tpu.memory_space<semaphore_mem>>)
    "tpu.region"() ({
      %run_scoped3A = tpu.sem_alloc : memref<!tpu.dma_semaphore, #tpu.memory_space<semaphore_mem>>
      %dma_start3A_106 = tpu.memref_slice %arg3[%mul3A_2] : memref<16384xi32, #tpu.memory_space<hbm>> -> memref<512xi32, #tpu.memory_space<hbm>>
      %dma_start3A_107 = tpu.memref_slice %arg3[%mul3A_2] : memref<16384xi32, #tpu.memory_space<hbm>> -> memref<512xi32, #tpu.memory_space<hbm>>
      tpu.enqueue_dma source(%dma_start3A_107 : memref<512xi32, #tpu.memory_space<hbm>>) target(%arg6 : memref<512xi32, #tpu.memory_space<vmem>>) target_semaphore(%run_scoped3A : memref<!tpu.dma_semaphore, #tpu.memory_space<semaphore_mem>>)
      %dma_wait3A_108 = tpu.memref_slice %arg3[%mul3A_2] : memref<16384xi32, #tpu.memory_space<hbm>> -> memref<512xi32, #tpu.memory_space<hbm>>
      %dma_wait3A_109 = tpu.memref_slice %arg3[%mul3A_2] : memref<16384xi32, #tpu.memory_space<hbm>> -> memref<512xi32, #tpu.memory_space<hbm>>
      tpu.wait_dma2 semaphore(%run_scoped3A : memref<!tpu.dma_semaphore, #tpu.memory_space<semaphore_mem>>) src(%dma_wait3A_109 : memref<512xi32, #tpu.memory_space<hbm>>) dst(%arg6 : memref<512xi32, #tpu.memory_space<vmem>>)
      tpu.yield
    }) : () -> ()
    %dma_start3A_8 = arith.constant 0 : i32
    %dma_start3A_9 = tpu.memref_slice %arg6[%dma_start3A_8] : memref<512xi32, #tpu.memory_space<vmem>> -> memref<128xi32, #tpu.memory_space<vmem>>
    %dma_start3A_10 = arith.constant 0 : i32
    %dma_start3A_11 = arith.constant 0 : i32
    %dma_start3A_12 = tpu.memref_slice %arg4[%dma_start3A_10, %dma_start3A_11] : memref<100000x128xf32, #tpu.memory_space<hbm>> -> memref<100000x128xf32, #tpu.memory_space<hbm>>
    tpu.enqueue_indirect_dma source(%dma_start3A_12 : memref<100000x128xf32, #tpu.memory_space<hbm>>) target(%arg9 : memref<128x128xf32, #tpu.memory_space<vmem>>) offsets(%dma_start3A_9 : memref<128xi32, #tpu.memory_space<vmem>>) semaphore(%arg12 : memref<!tpu.dma_semaphore, #tpu.memory_space<semaphore_mem>>)
    %iota3A = tpu.iota {dimensions = array<i32: 0>} : vector<16xi32>
    %broadcast_in_dim3A = arith.constant 0.000000e+00 : f32
    %broadcast_in_dim3A_13 = vector.broadcast %broadcast_in_dim3A : f32 to vector<16xf32>
    %dma_wait3A = arith.constant 0 : i32
    %dma_wait3A_14 = tpu.memref_slice %arg6[%dma_wait3A] : memref<512xi32, #tpu.memory_space<vmem>> -> memref<128xi32, #tpu.memory_space<vmem>>
    %dma_wait3A_15 = arith.constant 0 : i32
    %dma_wait3A_16 = arith.constant 0 : i32
    %dma_wait3A_17 = tpu.memref_slice %arg4[%dma_wait3A_15, %dma_wait3A_16] : memref<100000x128xf32, #tpu.memory_space<hbm>> -> memref<100000x128xf32, #tpu.memory_space<hbm>>
    tpu.wait_indirect_dma semaphore(%arg12 : memref<!tpu.dma_semaphore, #tpu.memory_space<semaphore_mem>>) src(%dma_wait3A_17 : memref<100000x128xf32, #tpu.memory_space<hbm>>) dst(%arg9 : memref<128x128xf32, #tpu.memory_space<vmem>>)
    %dma_wait3A_18 = arith.constant 0 : i32
    %dma_wait3A_19 = tpu.memref_slice %arg2[%add3A_4, %dma_wait3A_18] : memref<16384x128xf32, #tpu.memory_space<hbm>> -> memref<128x128xf32, #tpu.memory_space<hbm>>
    %dma_wait3A_20 = arith.constant 0 : i32
    %dma_wait3A_21 = tpu.memref_slice %arg2[%add3A_4, %dma_wait3A_20] : memref<16384x128xf32, #tpu.memory_space<hbm>> -> memref<128x128xf32, #tpu.memory_space<hbm>>
    tpu.wait_dma2 semaphore(%arg12 : memref<!tpu.dma_semaphore, #tpu.memory_space<semaphore_mem>>) src(%dma_wait3A_21 : memref<128x128xf32, #tpu.memory_space<hbm>>) dst(%arg7 : memref<128x128xf32, #tpu.memory_space<vmem>>)
    %dma_start3A_22 = arith.constant 128 : i32
    %dma_start3A_23 = tpu.memref_slice %arg6[%dma_start3A_22] : memref<512xi32, #tpu.memory_space<vmem>> -> memref<128xi32, #tpu.memory_space<vmem>>
    %dma_start3A_24 = arith.constant 0 : i32
    %dma_start3A_25 = arith.constant 0 : i32
    %dma_start3A_26 = tpu.memref_slice %arg4[%dma_start3A_24, %dma_start3A_25] : memref<100000x128xf32, #tpu.memory_space<hbm>> -> memref<100000x128xf32, #tpu.memory_space<hbm>>
    tpu.enqueue_indirect_dma source(%dma_start3A_26 : memref<100000x128xf32, #tpu.memory_space<hbm>>) target(%arg10 : memref<128x128xf32, #tpu.memory_space<vmem>>) offsets(%dma_start3A_23 : memref<128xi32, #tpu.memory_space<vmem>>) semaphore(%arg13 : memref<!tpu.dma_semaphore, #tpu.memory_space<semaphore_mem>>)
    %add3A_27 = arith.constant 128 : i32
    %add3A_28 = arith.addi %mul3A_2, %add3A_27 : i32
    %dma_start3A_29 = arith.constant 0 : i32
    %dma_start3A_30 = tpu.memref_slice %arg2[%add3A_28, %dma_start3A_29] : memref<16384x128xf32, #tpu.memory_space<hbm>> -> memref<128x128xf32, #tpu.memory_space<hbm>>
    %dma_start3A_31 = arith.constant 0 : i32
    %dma_start3A_32 = tpu.memref_slice %arg2[%add3A_28, %dma_start3A_31] : memref<16384x128xf32, #tpu.memory_space<hbm>> -> memref<128x128xf32, #tpu.memory_space<hbm>>
    tpu.enqueue_dma source(%dma_start3A_32 : memref<128x128xf32, #tpu.memory_space<hbm>>) target(%arg8 : memref<128x128xf32, #tpu.memory_space<vmem>>) target_semaphore(%arg13 : memref<!tpu.dma_semaphore, #tpu.memory_space<semaphore_mem>>)
    %scan3A = arith.constant 0 : i32
    %scan3A_33 = arith.constant 8 : i32
    %scan3A_34 = arith.addi %scan3A, %scan3A_33 : i32
    %scan3A_35 = arith.constant 1 : i32
    %scan3A_36 = scf.for %scan3A_106 = %scan3A to %scan3A_34 step %scan3A_35 iter_args(%scan3A_107 = %broadcast_in_dim3A_13) -> (vector<16xf32>)  : i32 {
      %mul3A_108 = arith.constant 16 : i32
      %mul3A_109 = arith.muli %scan3A_106, %mul3A_108 : i32
      %add3A_110 = vector.broadcast %mul3A_109 : i32 to vector<16xi32>
      %add3A_111 = arith.addi %add3A_110, %iota3A : vector<16xi32>
      %broadcast_in_dim3A_112 = arith.constant 0.000000e+00 : f32
      %broadcast_in_dim3A_113 = vector.broadcast %broadcast_in_dim3A_112 : f32 to vector<16xf32>
      %scan3A_114 = arith.constant 0 : i32
      %scan3A_115 = arith.constant 128 : i32
      %scan3A_116 = arith.addi %scan3A_114, %scan3A_115 : i32
      %scan3A_117 = arith.constant 2 : i32
      %scan3A_118:3 = scf.for %scan3A_167 = %scan3A_114 to %scan3A_116 step %scan3A_117 iter_args(%scan3A_168 = %broadcast_in_dim3A_113, %scan3A_169 = %broadcast_in_dim3A_113, %scan3A_170 = %broadcast_in_dim3A_113) -> (vector<16xf32>, vector<16xf32>, vector<16xf32>)  : i32 {
        %add3A_171 = vector.broadcast %scan3A_167 : i32 to vector<16xi32>
        %add3A_172 = arith.addi %add3A_171, %iota3A : vector<16xi32>
        %and3A = arith.constant 127 : i32
        %and3A_173 = vector.broadcast %and3A : i32 to vector<16xi32>
        %and3A_174 = arith.andi %add3A_172, %and3A_173 : vector<16xi32>
        %gather3A = tpu.vector_load_idx %arg7[%add3A_111, %and3A_174] : memref<128x128xf32, #tpu.memory_space<vmem>>[vector<16xi32>, vector<16xi32>], vector<16xf32>,
        %gather3A_175 = tpu.vector_load_idx %arg9[%add3A_111, %and3A_174] : memref<128x128xf32, #tpu.memory_space<vmem>>[vector<16xi32>, vector<16xi32>], vector<16xf32>,
        %mul3A_176 = arith.mulf %gather3A, %gather3A_175 : vector<16xf32>
        %add3A_177 = arith.addf %scan3A_168, %mul3A_176 : vector<16xf32>
        %mul3A_178 = arith.mulf %gather3A, %gather3A : vector<16xf32>
        %add3A_179 = arith.addf %scan3A_169, %mul3A_178 : vector<16xf32>
        %mul3A_180 = arith.mulf %gather3A_175, %gather3A_175 : vector<16xf32>
        %add3A_181 = arith.addf %scan3A_170, %mul3A_180 : vector<16xf32>
        %scan3A_182 = arith.constant 1 : i32
        %scan3A_183 = arith.addi %scan3A_167, %scan3A_182 : i32
        %add3A_184 = vector.broadcast %scan3A_183 : i32 to vector<16xi32>
        %add3A_185 = arith.addi %add3A_184, %iota3A : vector<16xi32>
        %and3A_186 = arith.constant 127 : i32
        %and3A_187 = vector.broadcast %and3A_186 : i32 to vector<16xi32>
        %and3A_188 = arith.andi %add3A_185, %and3A_187 : vector<16xi32>
        %gather3A_189 = tpu.vector_load_idx %arg7[%add3A_111, %and3A_188] : memref<128x128xf32, #tpu.memory_space<vmem>>[vector<16xi32>, vector<16xi32>], vector<16xf32>,
        %gather3A_190 = tpu.vector_load_idx %arg9[%add3A_111, %and3A_188] : memref<128x128xf32, #tpu.memory_space<vmem>>[vector<16xi32>, vector<16xi32>], vector<16xf32>,
        %mul3A_191 = arith.mulf %gather3A_189, %gather3A_190 : vector<16xf32>
        %add3A_192 = arith.addf %add3A_177, %mul3A_191 : vector<16xf32>
        %mul3A_193 = arith.mulf %gather3A_189, %gather3A_189 : vector<16xf32>
        %add3A_194 = arith.addf %add3A_179, %mul3A_193 : vector<16xf32>
        %mul3A_195 = arith.mulf %gather3A_190, %gather3A_190 : vector<16xf32>
        %add3A_196 = arith.addf %add3A_181, %mul3A_195 : vector<16xf32>
        scf.yield %add3A_192, %add3A_194, %add3A_196 : vector<16xf32>, vector<16xf32>, vector<16xf32>
      }
      %scan3A_119 = arith.constant 128 : i32
      %max3A = arith.constant 1.000000e-24 : f32
      %max3A_120 = vector.broadcast %max3A : f32 to vector<16xf32>
      %max3A_121 = arith.maximumf %scan3A_118#1, %max3A_120 : vector<16xf32>
      %max3A_122 = arith.constant 1.000000e-24 : f32
      %max3A_123 = vector.broadcast %max3A_122 : f32 to vector<16xf32>
      %max3A_124 = arith.maximumf %scan3A_118#2, %max3A_123 : vector<16xf32>
      %mul3A_125 = arith.mulf %max3A_121, %max3A_124 : vector<16xf32>
      %bitcast3A = vector.bitcast %mul3A_125 : vector<16xf32> to vector<16xi32>
      %shift_right_logical3A = arith.constant 1 : i32
      %shift_right_logical3A_126 = vector.broadcast %shift_right_logical3A : i32 to vector<16xi32>
      %shift_right_logical3A_127 = arith.shrui %bitcast3A, %shift_right_logical3A_126 : vector<16xi32>
      %sub3A = arith.constant 1597463007 : i32
      %sub3A_128 = vector.broadcast %sub3A : i32 to vector<16xi32>
      %sub3A_129 = arith.subi %sub3A_128, %shift_right_logical3A_127 : vector<16xi32>
      %bitcast3A_130 = vector.bitcast %sub3A_129 : vector<16xi32> to vector<16xf32>
      %mul3A_131 = arith.constant 5.000000e-01 : f32
      %mul3A_132 = vector.broadcast %mul3A_131 : f32 to vector<16xf32>
      %mul3A_133 = arith.mulf %mul3A_132, %mul3A_125 : vector<16xf32>
      %mul3A_134 = arith.mulf %mul3A_133, %bitcast3A_130 : vector<16xf32>
      %mul3A_135 = arith.mulf %mul3A_134, %bitcast3A_130 : vector<16xf32>
      %sub3A_136 = arith.constant 1.500000e+00 : f32
      %sub3A_137 = vector.broadcast %sub3A_136 : f32 to vector<16xf32>
      %sub3A_138 = arith.subf %sub3A_137, %mul3A_135 : vector<16xf32>
      %mul3A_139 = arith.mulf %bitcast3A_130, %sub3A_138 : vector<16xf32>
      %mul3A_140 = arith.constant 5.000000e-01 : f32
      %mul3A_141 = vector.broadcast %mul3A_140 : f32 to vector<16xf32>
      %mul3A_142 = arith.mulf %mul3A_141, %mul3A_125 : vector<16xf32>
      %mul3A_143 = arith.mulf %mul3A_142, %mul3A_139 : vector<16xf32>
      %mul3A_144 = arith.mulf %mul3A_143, %mul3A_139 : vector<16xf32>
      %sub3A_145 = arith.constant 1.500000e+00 : f32
      %sub3A_146 = vector.broadcast %sub3A_145 : f32 to vector<16xf32>
      %sub3A_147 = arith.subf %sub3A_146, %mul3A_144 : vector<16xf32>
      %mul3A_148 = arith.mulf %mul3A_139, %sub3A_147 : vector<16xf32>
      %mul3A_149 = arith.constant 5.000000e-01 : f32
      %mul3A_150 = vector.broadcast %mul3A_149 : f32 to vector<16xf32>
      %mul3A_151 = arith.mulf %mul3A_150, %mul3A_125 : vector<16xf32>
      %mul3A_152 = arith.mulf %mul3A_151, %mul3A_148 : vector<16xf32>
      %mul3A_153 = arith.mulf %mul3A_152, %mul3A_148 : vector<16xf32>
      %sub3A_154 = arith.constant 1.500000e+00 : f32
      %sub3A_155 = vector.broadcast %sub3A_154 : f32 to vector<16xf32>
      %sub3A_156 = arith.subf %sub3A_155, %mul3A_153 : vector<16xf32>
      %mul3A_157 = arith.mulf %mul3A_148, %sub3A_156 : vector<16xf32>
      %mul3A_158 = arith.mulf %scan3A_118#0, %mul3A_157 : vector<16xf32>
      %sub3A_159 = arith.constant 1.000000e+00 : f32
      %sub3A_160 = vector.broadcast %sub3A_159 : f32 to vector<16xf32>
      %sub3A_161 = arith.subf %sub3A_160, %mul3A_158 : vector<16xf32>
      %jit3A = arith.constant 0.000000e+00 : f32
      %jit3A_162 = arith.constant 2.000000e+00 : f32
      %max3A_163 = vector.broadcast %jit3A : f32 to vector<16xf32>
      %max3A_164 = arith.maximumf %max3A_163, %sub3A_161 : vector<16xf32>
      %min3A = vector.broadcast %jit3A_162 : f32 to vector<16xf32>
      %min3A_165 = arith.minimumf %min3A, %max3A_164 : vector<16xf32>
      %add3A_166 = arith.addf %scan3A_107, %min3A_165 : vector<16xf32>
      scf.yield %add3A_166 : vector<16xf32>
    }
    %scan3A_37 = arith.constant 8 : i32
    %dma_wait3A_38 = arith.constant 128 : i32
    %dma_wait3A_39 = tpu.memref_slice %arg6[%dma_wait3A_38] : memref<512xi32, #tpu.memory_space<vmem>> -> memref<128xi32, #tpu.memory_space<vmem>>
    %dma_wait3A_40 = arith.constant 0 : i32
    %dma_wait3A_41 = arith.constant 0 : i32
    %dma_wait3A_42 = tpu.memref_slice %arg4[%dma_wait3A_40, %dma_wait3A_41] : memref<100000x128xf32, #tpu.memory_space<hbm>> -> memref<100000x128xf32, #tpu.memory_space<hbm>>
    tpu.wait_indirect_dma semaphore(%arg13 : memref<!tpu.dma_semaphore, #tpu.memory_space<semaphore_mem>>) src(%dma_wait3A_42 : memref<100000x128xf32, #tpu.memory_space<hbm>>) dst(%arg10 : memref<128x128xf32, #tpu.memory_space<vmem>>)
    %dma_wait3A_43 = arith.constant 0 : i32
    %dma_wait3A_44 = tpu.memref_slice %arg2[%add3A_28, %dma_wait3A_43] : memref<16384x128xf32, #tpu.memory_space<hbm>> -> memref<128x128xf32, #tpu.memory_space<hbm>>
    %dma_wait3A_45 = arith.constant 0 : i32
    %dma_wait3A_46 = tpu.memref_slice %arg2[%add3A_28, %dma_wait3A_45] : memref<16384x128xf32, #tpu.memory_space<hbm>> -> memref<128x128xf32, #tpu.memory_space<hbm>>
    tpu.wait_dma2 semaphore(%arg13 : memref<!tpu.dma_semaphore, #tpu.memory_space<semaphore_mem>>) src(%dma_wait3A_46 : memref<128x128xf32, #tpu.memory_space<hbm>>) dst(%arg8 : memref<128x128xf32, #tpu.memory_space<vmem>>)
    %dma_start3A_47 = arith.constant 256 : i32
    %dma_start3A_48 = tpu.memref_slice %arg6[%dma_start3A_47] : memref<512xi32, #tpu.memory_space<vmem>> -> memref<128xi32, #tpu.memory_space<vmem>>
    %dma_start3A_49 = arith.constant 0 : i32
    %dma_start3A_50 = arith.constant 0 : i32
    %dma_start3A_51 = tpu.memref_slice %arg4[%dma_start3A_49, %dma_start3A_50] : memref<100000x128xf32, #tpu.memory_space<hbm>> -> memref<100000x128xf32, #tpu.memory_space<hbm>>
    tpu.enqueue_indirect_dma source(%dma_start3A_51 : memref<100000x128xf32, #tpu.memory_space<hbm>>) target(%arg9 : memref<128x128xf32, #tpu.memory_space<vmem>>) offsets(%dma_start3A_48 : memref<128xi32, #tpu.memory_space<vmem>>) semaphore(%arg12 : memref<!tpu.dma_semaphore, #tpu.memory_space<semaphore_mem>>)
    %add3A_52 = arith.constant 256 : i32
    %add3A_53 = arith.addi %mul3A_2, %add3A_52 : i32
    %dma_start3A_54 = arith.constant 0 : i32
    %dma_start3A_55 = tpu.memref_slice %arg2[%add3A_53, %dma_start3A_54] : memref<16384x128xf32, #tpu.memory_space<hbm>> -> memref<128x128xf32, #tpu.memory_space<hbm>>
    %dma_start3A_56 = arith.constant 0 : i32
    %dma_start3A_57 = tpu.memref_slice %arg2[%add3A_53, %dma_start3A_56] : memref<16384x128xf32, #tpu.memory_space<hbm>> -> memref<128x128xf32, #tpu.memory_space<hbm>>
    tpu.enqueue_dma source(%dma_start3A_57 : memref<128x128xf32, #tpu.memory_space<hbm>>) target(%arg7 : memref<128x128xf32, #tpu.memory_space<vmem>>) target_semaphore(%arg12 : memref<!tpu.dma_semaphore, #tpu.memory_space<semaphore_mem>>)
    %scan3A_58 = arith.constant 0 : i32
    %scan3A_59 = arith.constant 8 : i32
    %scan3A_60 = arith.addi %scan3A_58, %scan3A_59 : i32
    %scan3A_61 = arith.constant 1 : i32
    %scan3A_62 = scf.for %scan3A_106 = %scan3A_58 to %scan3A_60 step %scan3A_61 iter_args(%scan3A_107 = %scan3A_36) -> (vector<16xf32>)  : i32 {
      %mul3A_108 = arith.constant 16 : i32
      %mul3A_109 = arith.muli %scan3A_106, %mul3A_108 : i32
      %add3A_110 = vector.broadcast %mul3A_109 : i32 to vector<16xi32>
      %add3A_111 = arith.addi %add3A_110, %iota3A : vector<16xi32>
      %broadcast_in_dim3A_112 = arith.constant 0.000000e+00 : f32
      %broadcast_in_dim3A_113 = vector.broadcast %broadcast_in_dim3A_112 : f32 to vector<16xf32>
      %scan3A_114 = arith.constant 0 : i32
      %scan3A_115 = arith.constant 128 : i32
      %scan3A_116 = arith.addi %scan3A_114, %scan3A_115 : i32
      %scan3A_117 = arith.constant 2 : i32
      %scan3A_118:3 = scf.for %scan3A_167 = %scan3A_114 to %scan3A_116 step %scan3A_117 iter_args(%scan3A_168 = %broadcast_in_dim3A_113, %scan3A_169 = %broadcast_in_dim3A_113, %scan3A_170 = %broadcast_in_dim3A_113) -> (vector<16xf32>, vector<16xf32>, vector<16xf32>)  : i32 {
        %add3A_171 = vector.broadcast %scan3A_167 : i32 to vector<16xi32>
        %add3A_172 = arith.addi %add3A_171, %iota3A : vector<16xi32>
        %and3A = arith.constant 127 : i32
        %and3A_173 = vector.broadcast %and3A : i32 to vector<16xi32>
        %and3A_174 = arith.andi %add3A_172, %and3A_173 : vector<16xi32>
        %gather3A = tpu.vector_load_idx %arg8[%add3A_111, %and3A_174] : memref<128x128xf32, #tpu.memory_space<vmem>>[vector<16xi32>, vector<16xi32>], vector<16xf32>,
        %gather3A_175 = tpu.vector_load_idx %arg10[%add3A_111, %and3A_174] : memref<128x128xf32, #tpu.memory_space<vmem>>[vector<16xi32>, vector<16xi32>], vector<16xf32>,
        %mul3A_176 = arith.mulf %gather3A, %gather3A_175 : vector<16xf32>
        %add3A_177 = arith.addf %scan3A_168, %mul3A_176 : vector<16xf32>
        %mul3A_178 = arith.mulf %gather3A, %gather3A : vector<16xf32>
        %add3A_179 = arith.addf %scan3A_169, %mul3A_178 : vector<16xf32>
        %mul3A_180 = arith.mulf %gather3A_175, %gather3A_175 : vector<16xf32>
        %add3A_181 = arith.addf %scan3A_170, %mul3A_180 : vector<16xf32>
        %scan3A_182 = arith.constant 1 : i32
        %scan3A_183 = arith.addi %scan3A_167, %scan3A_182 : i32
        %add3A_184 = vector.broadcast %scan3A_183 : i32 to vector<16xi32>
        %add3A_185 = arith.addi %add3A_184, %iota3A : vector<16xi32>
        %and3A_186 = arith.constant 127 : i32
        %and3A_187 = vector.broadcast %and3A_186 : i32 to vector<16xi32>
        %and3A_188 = arith.andi %add3A_185, %and3A_187 : vector<16xi32>
        %gather3A_189 = tpu.vector_load_idx %arg8[%add3A_111, %and3A_188] : memref<128x128xf32, #tpu.memory_space<vmem>>[vector<16xi32>, vector<16xi32>], vector<16xf32>,
        %gather3A_190 = tpu.vector_load_idx %arg10[%add3A_111, %and3A_188] : memref<128x128xf32, #tpu.memory_space<vmem>>[vector<16xi32>, vector<16xi32>], vector<16xf32>,
        %mul3A_191 = arith.mulf %gather3A_189, %gather3A_190 : vector<16xf32>
        %add3A_192 = arith.addf %add3A_177, %mul3A_191 : vector<16xf32>
        %mul3A_193 = arith.mulf %gather3A_189, %gather3A_189 : vector<16xf32>
        %add3A_194 = arith.addf %add3A_179, %mul3A_193 : vector<16xf32>
        %mul3A_195 = arith.mulf %gather3A_190, %gather3A_190 : vector<16xf32>
        %add3A_196 = arith.addf %add3A_181, %mul3A_195 : vector<16xf32>
        scf.yield %add3A_192, %add3A_194, %add3A_196 : vector<16xf32>, vector<16xf32>, vector<16xf32>
      }
      %scan3A_119 = arith.constant 128 : i32
      %max3A = arith.constant 1.000000e-24 : f32
      %max3A_120 = vector.broadcast %max3A : f32 to vector<16xf32>
      %max3A_121 = arith.maximumf %scan3A_118#1, %max3A_120 : vector<16xf32>
      %max3A_122 = arith.constant 1.000000e-24 : f32
      %max3A_123 = vector.broadcast %max3A_122 : f32 to vector<16xf32>
      %max3A_124 = arith.maximumf %scan3A_118#2, %max3A_123 : vector<16xf32>
      %mul3A_125 = arith.mulf %max3A_121, %max3A_124 : vector<16xf32>
      %bitcast3A = vector.bitcast %mul3A_125 : vector<16xf32> to vector<16xi32>
      %shift_right_logical3A = arith.constant 1 : i32
      %shift_right_logical3A_126 = vector.broadcast %shift_right_logical3A : i32 to vector<16xi32>
      %shift_right_logical3A_127 = arith.shrui %bitcast3A, %shift_right_logical3A_126 : vector<16xi32>
      %sub3A = arith.constant 1597463007 : i32
      %sub3A_128 = vector.broadcast %sub3A : i32 to vector<16xi32>
      %sub3A_129 = arith.subi %sub3A_128, %shift_right_logical3A_127 : vector<16xi32>
      %bitcast3A_130 = vector.bitcast %sub3A_129 : vector<16xi32> to vector<16xf32>
      %mul3A_131 = arith.constant 5.000000e-01 : f32
      %mul3A_132 = vector.broadcast %mul3A_131 : f32 to vector<16xf32>
      %mul3A_133 = arith.mulf %mul3A_132, %mul3A_125 : vector<16xf32>
      %mul3A_134 = arith.mulf %mul3A_133, %bitcast3A_130 : vector<16xf32>
      %mul3A_135 = arith.mulf %mul3A_134, %bitcast3A_130 : vector<16xf32>
      %sub3A_136 = arith.constant 1.500000e+00 : f32
      %sub3A_137 = vector.broadcast %sub3A_136 : f32 to vector<16xf32>
      %sub3A_138 = arith.subf %sub3A_137, %mul3A_135 : vector<16xf32>
      %mul3A_139 = arith.mulf %bitcast3A_130, %sub3A_138 : vector<16xf32>
      %mul3A_140 = arith.constant 5.000000e-01 : f32
      %mul3A_141 = vector.broadcast %mul3A_140 : f32 to vector<16xf32>
      %mul3A_142 = arith.mulf %mul3A_141, %mul3A_125 : vector<16xf32>
      %mul3A_143 = arith.mulf %mul3A_142, %mul3A_139 : vector<16xf32>
      %mul3A_144 = arith.mulf %mul3A_143, %mul3A_139 : vector<16xf32>
      %sub3A_145 = arith.constant 1.500000e+00 : f32
      %sub3A_146 = vector.broadcast %sub3A_145 : f32 to vector<16xf32>
      %sub3A_147 = arith.subf %sub3A_146, %mul3A_144 : vector<16xf32>
      %mul3A_148 = arith.mulf %mul3A_139, %sub3A_147 : vector<16xf32>
      %mul3A_149 = arith.constant 5.000000e-01 : f32
      %mul3A_150 = vector.broadcast %mul3A_149 : f32 to vector<16xf32>
      %mul3A_151 = arith.mulf %mul3A_150, %mul3A_125 : vector<16xf32>
      %mul3A_152 = arith.mulf %mul3A_151, %mul3A_148 : vector<16xf32>
      %mul3A_153 = arith.mulf %mul3A_152, %mul3A_148 : vector<16xf32>
      %sub3A_154 = arith.constant 1.500000e+00 : f32
      %sub3A_155 = vector.broadcast %sub3A_154 : f32 to vector<16xf32>
      %sub3A_156 = arith.subf %sub3A_155, %mul3A_153 : vector<16xf32>
      %mul3A_157 = arith.mulf %mul3A_148, %sub3A_156 : vector<16xf32>
      %mul3A_158 = arith.mulf %scan3A_118#0, %mul3A_157 : vector<16xf32>
      %sub3A_159 = arith.constant 1.000000e+00 : f32
      %sub3A_160 = vector.broadcast %sub3A_159 : f32 to vector<16xf32>
      %sub3A_161 = arith.subf %sub3A_160, %mul3A_158 : vector<16xf32>
      %jit3A = arith.constant 0.000000e+00 : f32
      %jit3A_162 = arith.constant 2.000000e+00 : f32
      %max3A_163 = vector.broadcast %jit3A : f32 to vector<16xf32>
      %max3A_164 = arith.maximumf %max3A_163, %sub3A_161 : vector<16xf32>
      %min3A = vector.broadcast %jit3A_162 : f32 to vector<16xf32>
      %min3A_165 = arith.minimumf %min3A, %max3A_164 : vector<16xf32>
      %add3A_166 = arith.addf %scan3A_107, %min3A_165 : vector<16xf32>
      scf.yield %add3A_166 : vector<16xf32>
    }
    %scan3A_63 = arith.constant 8 : i32
    %dma_wait3A_64 = arith.constant 256 : i32
    %dma_wait3A_65 = tpu.memref_slice %arg6[%dma_wait3A_64] : memref<512xi32, #tpu.memory_space<vmem>> -> memref<128xi32, #tpu.memory_space<vmem>>
    %dma_wait3A_66 = arith.constant 0 : i32
    %dma_wait3A_67 = arith.constant 0 : i32
    %dma_wait3A_68 = tpu.memref_slice %arg4[%dma_wait3A_66, %dma_wait3A_67] : memref<100000x128xf32, #tpu.memory_space<hbm>> -> memref<100000x128xf32, #tpu.memory_space<hbm>>
    tpu.wait_indirect_dma semaphore(%arg12 : memref<!tpu.dma_semaphore, #tpu.memory_space<semaphore_mem>>) src(%dma_wait3A_68 : memref<100000x128xf32, #tpu.memory_space<hbm>>) dst(%arg9 : memref<128x128xf32, #tpu.memory_space<vmem>>)
    %dma_wait3A_69 = arith.constant 0 : i32
    %dma_wait3A_70 = tpu.memref_slice %arg2[%add3A_53, %dma_wait3A_69] : memref<16384x128xf32, #tpu.memory_space<hbm>> -> memref<128x128xf32, #tpu.memory_space<hbm>>
    %dma_wait3A_71 = arith.constant 0 : i32
    %dma_wait3A_72 = tpu.memref_slice %arg2[%add3A_53, %dma_wait3A_71] : memref<16384x128xf32, #tpu.memory_space<hbm>> -> memref<128x128xf32, #tpu.memory_space<hbm>>
    tpu.wait_dma2 semaphore(%arg12 : memref<!tpu.dma_semaphore, #tpu.memory_space<semaphore_mem>>) src(%dma_wait3A_72 : memref<128x128xf32, #tpu.memory_space<hbm>>) dst(%arg7 : memref<128x128xf32, #tpu.memory_space<vmem>>)
    %dma_start3A_73 = arith.constant 384 : i32
    %dma_start3A_74 = tpu.memref_slice %arg6[%dma_start3A_73] : memref<512xi32, #tpu.memory_space<vmem>> -> memref<128xi32, #tpu.memory_space<vmem>>
    %dma_start3A_75 = arith.constant 0 : i32
    %dma_start3A_76 = arith.constant 0 : i32
    %dma_start3A_77 = tpu.memref_slice %arg4[%dma_start3A_75, %dma_start3A_76] : memref<100000x128xf32, #tpu.memory_space<hbm>> -> memref<100000x128xf32, #tpu.memory_space<hbm>>
    tpu.enqueue_indirect_dma source(%dma_start3A_77 : memref<100000x128xf32, #tpu.memory_space<hbm>>) target(%arg10 : memref<128x128xf32, #tpu.memory_space<vmem>>) offsets(%dma_start3A_74 : memref<128xi32, #tpu.memory_space<vmem>>) semaphore(%arg13 : memref<!tpu.dma_semaphore, #tpu.memory_space<semaphore_mem>>)
    %add3A_78 = arith.constant 384 : i32
    %add3A_79 = arith.addi %mul3A_2, %add3A_78 : i32
    %dma_start3A_80 = arith.constant 0 : i32
    %dma_start3A_81 = tpu.memref_slice %arg2[%add3A_79, %dma_start3A_80] : memref<16384x128xf32, #tpu.memory_space<hbm>> -> memref<128x128xf32, #tpu.memory_space<hbm>>
    %dma_start3A_82 = arith.constant 0 : i32
    %dma_start3A_83 = tpu.memref_slice %arg2[%add3A_79, %dma_start3A_82] : memref<16384x128xf32, #tpu.memory_space<hbm>> -> memref<128x128xf32, #tpu.memory_space<hbm>>
    tpu.enqueue_dma source(%dma_start3A_83 : memref<128x128xf32, #tpu.memory_space<hbm>>) target(%arg8 : memref<128x128xf32, #tpu.memory_space<vmem>>) target_semaphore(%arg13 : memref<!tpu.dma_semaphore, #tpu.memory_space<semaphore_mem>>)
    %scan3A_84 = arith.constant 0 : i32
    %scan3A_85 = arith.constant 8 : i32
    %scan3A_86 = arith.addi %scan3A_84, %scan3A_85 : i32
    %scan3A_87 = arith.constant 1 : i32
    %scan3A_88 = scf.for %scan3A_106 = %scan3A_84 to %scan3A_86 step %scan3A_87 iter_args(%scan3A_107 = %scan3A_62) -> (vector<16xf32>)  : i32 {
      %mul3A_108 = arith.constant 16 : i32
      %mul3A_109 = arith.muli %scan3A_106, %mul3A_108 : i32
      %add3A_110 = vector.broadcast %mul3A_109 : i32 to vector<16xi32>
      %add3A_111 = arith.addi %add3A_110, %iota3A : vector<16xi32>
      %broadcast_in_dim3A_112 = arith.constant 0.000000e+00 : f32
      %broadcast_in_dim3A_113 = vector.broadcast %broadcast_in_dim3A_112 : f32 to vector<16xf32>
      %scan3A_114 = arith.constant 0 : i32
      %scan3A_115 = arith.constant 128 : i32
      %scan3A_116 = arith.addi %scan3A_114, %scan3A_115 : i32
      %scan3A_117 = arith.constant 2 : i32
      %scan3A_118:3 = scf.for %scan3A_167 = %scan3A_114 to %scan3A_116 step %scan3A_117 iter_args(%scan3A_168 = %broadcast_in_dim3A_113, %scan3A_169 = %broadcast_in_dim3A_113, %scan3A_170 = %broadcast_in_dim3A_113) -> (vector<16xf32>, vector<16xf32>, vector<16xf32>)  : i32 {
        %add3A_171 = vector.broadcast %scan3A_167 : i32 to vector<16xi32>
        %add3A_172 = arith.addi %add3A_171, %iota3A : vector<16xi32>
        %and3A = arith.constant 127 : i32
        %and3A_173 = vector.broadcast %and3A : i32 to vector<16xi32>
        %and3A_174 = arith.andi %add3A_172, %and3A_173 : vector<16xi32>
        %gather3A = tpu.vector_load_idx %arg7[%add3A_111, %and3A_174] : memref<128x128xf32, #tpu.memory_space<vmem>>[vector<16xi32>, vector<16xi32>], vector<16xf32>,
        %gather3A_175 = tpu.vector_load_idx %arg9[%add3A_111, %and3A_174] : memref<128x128xf32, #tpu.memory_space<vmem>>[vector<16xi32>, vector<16xi32>], vector<16xf32>,
        %mul3A_176 = arith.mulf %gather3A, %gather3A_175 : vector<16xf32>
        %add3A_177 = arith.addf %scan3A_168, %mul3A_176 : vector<16xf32>
        %mul3A_178 = arith.mulf %gather3A, %gather3A : vector<16xf32>
        %add3A_179 = arith.addf %scan3A_169, %mul3A_178 : vector<16xf32>
        %mul3A_180 = arith.mulf %gather3A_175, %gather3A_175 : vector<16xf32>
        %add3A_181 = arith.addf %scan3A_170, %mul3A_180 : vector<16xf32>
        %scan3A_182 = arith.constant 1 : i32
        %scan3A_183 = arith.addi %scan3A_167, %scan3A_182 : i32
        %add3A_184 = vector.broadcast %scan3A_183 : i32 to vector<16xi32>
        %add3A_185 = arith.addi %add3A_184, %iota3A : vector<16xi32>
        %and3A_186 = arith.constant 127 : i32
        %and3A_187 = vector.broadcast %and3A_186 : i32 to vector<16xi32>
        %and3A_188 = arith.andi %add3A_185, %and3A_187 : vector<16xi32>
        %gather3A_189 = tpu.vector_load_idx %arg7[%add3A_111, %and3A_188] : memref<128x128xf32, #tpu.memory_space<vmem>>[vector<16xi32>, vector<16xi32>], vector<16xf32>,
        %gather3A_190 = tpu.vector_load_idx %arg9[%add3A_111, %and3A_188] : memref<128x128xf32, #tpu.memory_space<vmem>>[vector<16xi32>, vector<16xi32>], vector<16xf32>,
        %mul3A_191 = arith.mulf %gather3A_189, %gather3A_190 : vector<16xf32>
        %add3A_192 = arith.addf %add3A_177, %mul3A_191 : vector<16xf32>
        %mul3A_193 = arith.mulf %gather3A_189, %gather3A_189 : vector<16xf32>
        %add3A_194 = arith.addf %add3A_179, %mul3A_193 : vector<16xf32>
        %mul3A_195 = arith.mulf %gather3A_190, %gather3A_190 : vector<16xf32>
        %add3A_196 = arith.addf %add3A_181, %mul3A_195 : vector<16xf32>
        scf.yield %add3A_192, %add3A_194, %add3A_196 : vector<16xf32>, vector<16xf32>, vector<16xf32>
      }
      %scan3A_119 = arith.constant 128 : i32
      %max3A = arith.constant 1.000000e-24 : f32
      %max3A_120 = vector.broadcast %max3A : f32 to vector<16xf32>
      %max3A_121 = arith.maximumf %scan3A_118#1, %max3A_120 : vector<16xf32>
      %max3A_122 = arith.constant 1.000000e-24 : f32
      %max3A_123 = vector.broadcast %max3A_122 : f32 to vector<16xf32>
      %max3A_124 = arith.maximumf %scan3A_118#2, %max3A_123 : vector<16xf32>
      %mul3A_125 = arith.mulf %max3A_121, %max3A_124 : vector<16xf32>
      %bitcast3A = vector.bitcast %mul3A_125 : vector<16xf32> to vector<16xi32>
      %shift_right_logical3A = arith.constant 1 : i32
      %shift_right_logical3A_126 = vector.broadcast %shift_right_logical3A : i32 to vector<16xi32>
      %shift_right_logical3A_127 = arith.shrui %bitcast3A, %shift_right_logical3A_126 : vector<16xi32>
      %sub3A = arith.constant 1597463007 : i32
      %sub3A_128 = vector.broadcast %sub3A : i32 to vector<16xi32>
      %sub3A_129 = arith.subi %sub3A_128, %shift_right_logical3A_127 : vector<16xi32>
      %bitcast3A_130 = vector.bitcast %sub3A_129 : vector<16xi32> to vector<16xf32>
      %mul3A_131 = arith.constant 5.000000e-01 : f32
      %mul3A_132 = vector.broadcast %mul3A_131 : f32 to vector<16xf32>
      %mul3A_133 = arith.mulf %mul3A_132, %mul3A_125 : vector<16xf32>
      %mul3A_134 = arith.mulf %mul3A_133, %bitcast3A_130 : vector<16xf32>
      %mul3A_135 = arith.mulf %mul3A_134, %bitcast3A_130 : vector<16xf32>
      %sub3A_136 = arith.constant 1.500000e+00 : f32
      %sub3A_137 = vector.broadcast %sub3A_136 : f32 to vector<16xf32>
      %sub3A_138 = arith.subf %sub3A_137, %mul3A_135 : vector<16xf32>
      %mul3A_139 = arith.mulf %bitcast3A_130, %sub3A_138 : vector<16xf32>
      %mul3A_140 = arith.constant 5.000000e-01 : f32
      %mul3A_141 = vector.broadcast %mul3A_140 : f32 to vector<16xf32>
      %mul3A_142 = arith.mulf %mul3A_141, %mul3A_125 : vector<16xf32>
      %mul3A_143 = arith.mulf %mul3A_142, %mul3A_139 : vector<16xf32>
      %mul3A_144 = arith.mulf %mul3A_143, %mul3A_139 : vector<16xf32>
      %sub3A_145 = arith.constant 1.500000e+00 : f32
      %sub3A_146 = vector.broadcast %sub3A_145 : f32 to vector<16xf32>
      %sub3A_147 = arith.subf %sub3A_146, %mul3A_144 : vector<16xf32>
      %mul3A_148 = arith.mulf %mul3A_139, %sub3A_147 : vector<16xf32>
      %mul3A_149 = arith.constant 5.000000e-01 : f32
      %mul3A_150 = vector.broadcast %mul3A_149 : f32 to vector<16xf32>
      %mul3A_151 = arith.mulf %mul3A_150, %mul3A_125 : vector<16xf32>
      %mul3A_152 = arith.mulf %mul3A_151, %mul3A_148 : vector<16xf32>
      %mul3A_153 = arith.mulf %mul3A_152, %mul3A_148 : vector<16xf32>
      %sub3A_154 = arith.constant 1.500000e+00 : f32
      %sub3A_155 = vector.broadcast %sub3A_154 : f32 to vector<16xf32>
      %sub3A_156 = arith.subf %sub3A_155, %mul3A_153 : vector<16xf32>
      %mul3A_157 = arith.mulf %mul3A_148, %sub3A_156 : vector<16xf32>
      %mul3A_158 = arith.mulf %scan3A_118#0, %mul3A_157 : vector<16xf32>
      %sub3A_159 = arith.constant 1.000000e+00 : f32
      %sub3A_160 = vector.broadcast %sub3A_159 : f32 to vector<16xf32>
      %sub3A_161 = arith.subf %sub3A_160, %mul3A_158 : vector<16xf32>
      %jit3A = arith.constant 0.000000e+00 : f32
      %jit3A_162 = arith.constant 2.000000e+00 : f32
      %max3A_163 = vector.broadcast %jit3A : f32 to vector<16xf32>
      %max3A_164 = arith.maximumf %max3A_163, %sub3A_161 : vector<16xf32>
      %min3A = vector.broadcast %jit3A_162 : f32 to vector<16xf32>
      %min3A_165 = arith.minimumf %min3A, %max3A_164 : vector<16xf32>
      %add3A_166 = arith.addf %scan3A_107, %min3A_165 : vector<16xf32>
      scf.yield %add3A_166 : vector<16xf32>
    }
    %scan3A_89 = arith.constant 8 : i32
    %dma_wait3A_90 = arith.constant 384 : i32
    %dma_wait3A_91 = tpu.memref_slice %arg6[%dma_wait3A_90] : memref<512xi32, #tpu.memory_space<vmem>> -> memref<128xi32, #tpu.memory_space<vmem>>
    %dma_wait3A_92 = arith.constant 0 : i32
    %dma_wait3A_93 = arith.constant 0 : i32
    %dma_wait3A_94 = tpu.memref_slice %arg4[%dma_wait3A_92, %dma_wait3A_93] : memref<100000x128xf32, #tpu.memory_space<hbm>> -> memref<100000x128xf32, #tpu.memory_space<hbm>>
    tpu.wait_indirect_dma semaphore(%arg13 : memref<!tpu.dma_semaphore, #tpu.memory_space<semaphore_mem>>) src(%dma_wait3A_94 : memref<100000x128xf32, #tpu.memory_space<hbm>>) dst(%arg10 : memref<128x128xf32, #tpu.memory_space<vmem>>)
    %dma_wait3A_95 = arith.constant 0 : i32
    %dma_wait3A_96 = tpu.memref_slice %arg2[%add3A_79, %dma_wait3A_95] : memref<16384x128xf32, #tpu.memory_space<hbm>> -> memref<128x128xf32, #tpu.memory_space<hbm>>
    %dma_wait3A_97 = arith.constant 0 : i32
    %dma_wait3A_98 = tpu.memref_slice %arg2[%add3A_79, %dma_wait3A_97] : memref<16384x128xf32, #tpu.memory_space<hbm>> -> memref<128x128xf32, #tpu.memory_space<hbm>>
    tpu.wait_dma2 semaphore(%arg13 : memref<!tpu.dma_semaphore, #tpu.memory_space<semaphore_mem>>) src(%dma_wait3A_98 : memref<128x128xf32, #tpu.memory_space<hbm>>) dst(%arg8 : memref<128x128xf32, #tpu.memory_space<vmem>>)
    %scan3A_99 = arith.constant 0 : i32
    %scan3A_100 = arith.constant 8 : i32
    %scan3A_101 = arith.addi %scan3A_99, %scan3A_100 : i32
    %scan3A_102 = arith.constant 1 : i32
    %scan3A_103 = scf.for %scan3A_106 = %scan3A_99 to %scan3A_101 step %scan3A_102 iter_args(%scan3A_107 = %scan3A_88) -> (vector<16xf32>)  : i32 {
      %mul3A_108 = arith.constant 16 : i32
      %mul3A_109 = arith.muli %scan3A_106, %mul3A_108 : i32
      %add3A_110 = vector.broadcast %mul3A_109 : i32 to vector<16xi32>
      %add3A_111 = arith.addi %add3A_110, %iota3A : vector<16xi32>
      %broadcast_in_dim3A_112 = arith.constant 0.000000e+00 : f32
      %broadcast_in_dim3A_113 = vector.broadcast %broadcast_in_dim3A_112 : f32 to vector<16xf32>
      %scan3A_114 = arith.constant 0 : i32
      %scan3A_115 = arith.constant 128 : i32
      %scan3A_116 = arith.addi %scan3A_114, %scan3A_115 : i32
      %scan3A_117 = arith.constant 2 : i32
      %scan3A_118:3 = scf.for %scan3A_167 = %scan3A_114 to %scan3A_116 step %scan3A_117 iter_args(%scan3A_168 = %broadcast_in_dim3A_113, %scan3A_169 = %broadcast_in_dim3A_113, %scan3A_170 = %broadcast_in_dim3A_113) -> (vector<16xf32>, vector<16xf32>, vector<16xf32>)  : i32 {
        %add3A_171 = vector.broadcast %scan3A_167 : i32 to vector<16xi32>
        %add3A_172 = arith.addi %add3A_171, %iota3A : vector<16xi32>
        %and3A = arith.constant 127 : i32
        %and3A_173 = vector.broadcast %and3A : i32 to vector<16xi32>
        %and3A_174 = arith.andi %add3A_172, %and3A_173 : vector<16xi32>
        %gather3A = tpu.vector_load_idx %arg8[%add3A_111, %and3A_174] : memref<128x128xf32, #tpu.memory_space<vmem>>[vector<16xi32>, vector<16xi32>], vector<16xf32>,
        %gather3A_175 = tpu.vector_load_idx %arg10[%add3A_111, %and3A_174] : memref<128x128xf32, #tpu.memory_space<vmem>>[vector<16xi32>, vector<16xi32>], vector<16xf32>,
        %mul3A_176 = arith.mulf %gather3A, %gather3A_175 : vector<16xf32>
        %add3A_177 = arith.addf %scan3A_168, %mul3A_176 : vector<16xf32>
        %mul3A_178 = arith.mulf %gather3A, %gather3A : vector<16xf32>
        %add3A_179 = arith.addf %scan3A_169, %mul3A_178 : vector<16xf32>
        %mul3A_180 = arith.mulf %gather3A_175, %gather3A_175 : vector<16xf32>
        %add3A_181 = arith.addf %scan3A_170, %mul3A_180 : vector<16xf32>
        %scan3A_182 = arith.constant 1 : i32
        %scan3A_183 = arith.addi %scan3A_167, %scan3A_182 : i32
        %add3A_184 = vector.broadcast %scan3A_183 : i32 to vector<16xi32>
        %add3A_185 = arith.addi %add3A_184, %iota3A : vector<16xi32>
        %and3A_186 = arith.constant 127 : i32
        %and3A_187 = vector.broadcast %and3A_186 : i32 to vector<16xi32>
        %and3A_188 = arith.andi %add3A_185, %and3A_187 : vector<16xi32>
        %gather3A_189 = tpu.vector_load_idx %arg8[%add3A_111, %and3A_188] : memref<128x128xf32, #tpu.memory_space<vmem>>[vector<16xi32>, vector<16xi32>], vector<16xf32>,
        %gather3A_190 = tpu.vector_load_idx %arg10[%add3A_111, %and3A_188] : memref<128x128xf32, #tpu.memory_space<vmem>>[vector<16xi32>, vector<16xi32>], vector<16xf32>,
        %mul3A_191 = arith.mulf %gather3A_189, %gather3A_190 : vector<16xf32>
        %add3A_192 = arith.addf %add3A_177, %mul3A_191 : vector<16xf32>
        %mul3A_193 = arith.mulf %gather3A_189, %gather3A_189 : vector<16xf32>
        %add3A_194 = arith.addf %add3A_179, %mul3A_193 : vector<16xf32>
        %mul3A_195 = arith.mulf %gather3A_190, %gather3A_190 : vector<16xf32>
        %add3A_196 = arith.addf %add3A_181, %mul3A_195 : vector<16xf32>
        scf.yield %add3A_192, %add3A_194, %add3A_196 : vector<16xf32>, vector<16xf32>, vector<16xf32>
      }
      %scan3A_119 = arith.constant 128 : i32
      %max3A = arith.constant 1.000000e-24 : f32
      %max3A_120 = vector.broadcast %max3A : f32 to vector<16xf32>
      %max3A_121 = arith.maximumf %scan3A_118#1, %max3A_120 : vector<16xf32>
      %max3A_122 = arith.constant 1.000000e-24 : f32
      %max3A_123 = vector.broadcast %max3A_122 : f32 to vector<16xf32>
      %max3A_124 = arith.maximumf %scan3A_118#2, %max3A_123 : vector<16xf32>
      %mul3A_125 = arith.mulf %max3A_121, %max3A_124 : vector<16xf32>
      %bitcast3A = vector.bitcast %mul3A_125 : vector<16xf32> to vector<16xi32>
      %shift_right_logical3A = arith.constant 1 : i32
      %shift_right_logical3A_126 = vector.broadcast %shift_right_logical3A : i32 to vector<16xi32>
      %shift_right_logical3A_127 = arith.shrui %bitcast3A, %shift_right_logical3A_126 : vector<16xi32>
      %sub3A = arith.constant 1597463007 : i32
      %sub3A_128 = vector.broadcast %sub3A : i32 to vector<16xi32>
      %sub3A_129 = arith.subi %sub3A_128, %shift_right_logical3A_127 : vector<16xi32>
      %bitcast3A_130 = vector.bitcast %sub3A_129 : vector<16xi32> to vector<16xf32>
      %mul3A_131 = arith.constant 5.000000e-01 : f32
      %mul3A_132 = vector.broadcast %mul3A_131 : f32 to vector<16xf32>
      %mul3A_133 = arith.mulf %mul3A_132, %mul3A_125 : vector<16xf32>
      %mul3A_134 = arith.mulf %mul3A_133, %bitcast3A_130 : vector<16xf32>
      %mul3A_135 = arith.mulf %mul3A_134, %bitcast3A_130 : vector<16xf32>
      %sub3A_136 = arith.constant 1.500000e+00 : f32
      %sub3A_137 = vector.broadcast %sub3A_136 : f32 to vector<16xf32>
      %sub3A_138 = arith.subf %sub3A_137, %mul3A_135 : vector<16xf32>
      %mul3A_139 = arith.mulf %bitcast3A_130, %sub3A_138 : vector<16xf32>
      %mul3A_140 = arith.constant 5.000000e-01 : f32
      %mul3A_141 = vector.broadcast %mul3A_140 : f32 to vector<16xf32>
      %mul3A_142 = arith.mulf %mul3A_141, %mul3A_125 : vector<16xf32>
      %mul3A_143 = arith.mulf %mul3A_142, %mul3A_139 : vector<16xf32>
      %mul3A_144 = arith.mulf %mul3A_143, %mul3A_139 : vector<16xf32>
      %sub3A_145 = arith.constant 1.500000e+00 : f32
      %sub3A_146 = vector.broadcast %sub3A_145 : f32 to vector<16xf32>
      %sub3A_147 = arith.subf %sub3A_146, %mul3A_144 : vector<16xf32>
      %mul3A_148 = arith.mulf %mul3A_139, %sub3A_147 : vector<16xf32>
      %mul3A_149 = arith.constant 5.000000e-01 : f32
      %mul3A_150 = vector.broadcast %mul3A_149 : f32 to vector<16xf32>
      %mul3A_151 = arith.mulf %mul3A_150, %mul3A_125 : vector<16xf32>
      %mul3A_152 = arith.mulf %mul3A_151, %mul3A_148 : vector<16xf32>
      %mul3A_153 = arith.mulf %mul3A_152, %mul3A_148 : vector<16xf32>
      %sub3A_154 = arith.constant 1.500000e+00 : f32
      %sub3A_155 = vector.broadcast %sub3A_154 : f32 to vector<16xf32>
      %sub3A_156 = arith.subf %sub3A_155, %mul3A_153 : vector<16xf32>
      %mul3A_157 = arith.mulf %mul3A_148, %sub3A_156 : vector<16xf32>
      %mul3A_158 = arith.mulf %scan3A_118#0, %mul3A_157 : vector<16xf32>
      %sub3A_159 = arith.constant 1.000000e+00 : f32
      %sub3A_160 = vector.broadcast %sub3A_159 : f32 to vector<16xf32>
      %sub3A_161 = arith.subf %sub3A_160, %mul3A_158 : vector<16xf32>
      %jit3A = arith.constant 0.000000e+00 : f32
      %jit3A_162 = arith.constant 2.000000e+00 : f32
      %max3A_163 = vector.broadcast %jit3A : f32 to vector<16xf32>
      %max3A_164 = arith.maximumf %max3A_163, %sub3A_161 : vector<16xf32>
      %min3A = vector.broadcast %jit3A_162 : f32 to vector<16xf32>
      %min3A_165 = arith.minimumf %min3A, %max3A_164 : vector<16xf32>
      %add3A_166 = arith.addf %scan3A_107, %min3A_165 : vector<16xf32>
      scf.yield %add3A_166 : vector<16xf32>
    }
    %scan3A_104 = arith.constant 8 : i32
    %swap3A = arith.constant 0 : index
    %swap3A_105 = tpu.vector_load %arg11[%swap3A] {strides = array<i32>} : memref<16xf32, #tpu.memory_space<vmem>>, vector<16xf32>,
    tpu.vector_store %arg11[%swap3A], %scan3A_103 {strides = array<i32>} : memref<16xf32, #tpu.memory_space<vmem>>, vector<16xf32>,
    "tpu.region"() ({
      %run_scoped3A = tpu.sem_alloc : memref<!tpu.dma_semaphore, #tpu.memory_space<semaphore_mem>>
      %dma_start3A_106 = arith.constant 0 : i32
      %dma_start3A_107 = tpu.memref_slice %arg5[%add3A, %dma_start3A_106] : memref<32x16xf32, #tpu.memory_space<hbm>> -> memref<1x16xf32, #tpu.memory_space<hbm>>
      %dma_start3A_108 = tpu.memref_squeeze %dma_start3A_107 : memref<1x16xf32, #tpu.memory_space<hbm>> -> memref<16xf32, #tpu.memory_space<hbm>>
      %dma_start3A_109 = arith.constant 0 : i32
      %dma_start3A_110 = tpu.memref_slice %arg5[%add3A, %dma_start3A_109] : memref<32x16xf32, #tpu.memory_space<hbm>> -> memref<1x16xf32, #tpu.memory_space<hbm>>
      %dma_start3A_111 = tpu.memref_squeeze %dma_start3A_110 : memref<1x16xf32, #tpu.memory_space<hbm>> -> memref<16xf32, #tpu.memory_space<hbm>>
      tpu.enqueue_dma source(%arg11 : memref<16xf32, #tpu.memory_space<vmem>>) target(%dma_start3A_111 : memref<16xf32, #tpu.memory_space<hbm>>) target_semaphore(%run_scoped3A : memref<!tpu.dma_semaphore, #tpu.memory_space<semaphore_mem>>)
      %dma_wait3A_112 = arith.constant 0 : i32
      %dma_wait3A_113 = tpu.memref_slice %arg5[%add3A, %dma_wait3A_112] : memref<32x16xf32, #tpu.memory_space<hbm>> -> memref<1x16xf32, #tpu.memory_space<hbm>>
      %dma_wait3A_114 = tpu.memref_squeeze %dma_wait3A_113 : memref<1x16xf32, #tpu.memory_space<hbm>> -> memref<16xf32, #tpu.memory_space<hbm>>
      %dma_wait3A_115 = arith.constant 0 : i32
      %dma_wait3A_116 = tpu.memref_slice %arg5[%add3A, %dma_wait3A_115] : memref<32x16xf32, #tpu.memory_space<hbm>> -> memref<1x16xf32, #tpu.memory_space<hbm>>
      %dma_wait3A_117 = tpu.memref_squeeze %dma_wait3A_116 : memref<1x16xf32, #tpu.memory_space<hbm>> -> memref<16xf32, #tpu.memory_space<hbm>>
      tpu.wait_dma2 semaphore(%run_scoped3A : memref<!tpu.dma_semaphore, #tpu.memory_space<semaphore_mem>>) src(%arg11 : memref<16xf32, #tpu.memory_space<vmem>>) dst(%dma_wait3A_117 : memref<16xf32, #tpu.memory_space<hbm>>)
      tpu.yield
    }) : () -> ()
    return
  }
}

module attributes {stable_mosaic.version = 14 : i64} {
  func.func @_tc_finish(%arg0: memref<32x16xf32, #tpu.memory_space<vmem>>, %arg1: memref<1x1xf32, #tpu.memory_space<smem>>) attributes {dimension_semantics = [], scalar_prefetch = 0 : i64, scratch_operands = 0 : i64, tpu.core_type = #tpu.core_type<tc>} {
    %get3A = arith.constant 0 : index
    %get3A_0 = arith.constant 0 : index
    %get3A_1 = vector.load %arg0[%get3A, %get3A_0] : memref<32x16xf32, #tpu.memory_space<vmem>>, vector<32x16xf32>
    %reduce_sum3A = vector.shape_cast %get3A_1 : vector<32x16xf32> to vector<1x32x16xf32>
    %reduce_sum3A_2 = arith.constant dense<0.000000e+00> : vector<1xf32>
    %reduce_sum3A_3 = vector.multi_reduction <add>, %reduce_sum3A, %reduce_sum3A_2 [1, 2] : vector<1x32x16xf32> to vector<1xf32>
    %reduce_sum3A_4 = vector.shape_cast %reduce_sum3A_3 : vector<1xf32> to vector<1x1x1xf32>
    %reduce_sum3A_5 = vector.extract %reduce_sum3A_4[0, 0, 0] : f32 from vector<1x1x1xf32>
    %mul3A = arith.constant 6.10351563E-5 : f32
    %mul3A_6 = arith.mulf %reduce_sum3A_5, %mul3A : f32
    %swap3A = arith.constant 0 : index
    %swap3A_7 = arith.constant 0 : index
    %swap3A_8 = memref.load %arg1[%swap3A, %swap3A_7] : memref<1x1xf32, #tpu.memory_space<smem>>
    memref.store %mul3A_6, %arg1[%swap3A, %swap3A_7] : memref<1x1xf32, #tpu.memory_space<smem>>
    return
  }
}

</mosaic_0001>

<sc_bundles>
// kernel: kernel.4.cloned.1.call-start
scs
__scs_entry_jumppad:
0x0: {  	(pc) =	sbr.rel $0x88, $3  }
0x1: {  	(tag) =	ssettag $0x0;
	lr =	simm.s32 $0x1  }
0x2: {  	[smem:$0x3F9E] =	sst lr;
	_ =	strace $0xD0000000  }
0x3: {  	_ = 	snop  }
0x4: {  	_ = 	snop  }
0x5: {  	_ = 	snop  }
0x6: {  	_ = 	snop  }
0x7: {  	_ = 	snop  }
__scs_overlays_trampoline_lowered:
0x8: {  	[smem:$0x3FAD] =	sst s0  }
0x9: {  	[smem:$0x3FAE] =	sst s1  }
0xa: {  	[smem:$0x3FAF] =	sst s2  }
0xb: {  	[smem:$0x3FB0] =	sst s3  }
0xc: {  	[smem:$0x3FB1] =	sst s4  }
0xd: {  	[smem:$0x3FB2] =	sst s5  }
0xe: {  	[smem:$0x3FB3] =	sst s6  }
0xf: {  	[smem:$0x3FB4] =	sst s7  }
0x10: {  	[smem:$0x3FB5] =	sst s8  }
0x11: {  	[smem:$0x3FB6] =	sst s9;
	s0 =	simm.s32 @!p0 $0x0  }
0x12: {  	s1 =	sld [smem:$0x3F9C];
	s0 =	simm.s32 @p0 $0x1  }
0x13: {  	[smem:$0x3FB7] =	sst s0;
	s0 =	simm.s32 @!p1 $0x0  }
0x14: {  	s2 =	sld [smem:$0x3F9B];
	s0 =	simm.s32 @p1 $0x1  }
0x15: {  	[smem:$0x3FB8] =	sst s0;
	s0 =	simm.s32 @!p2 $0x0  }
0x16: {  	s3 =	sld [smem:$0x3FDB];
	s0 =	simm.s32 @p2 $0x1  }
0x17: {  	s4 =	simm.s32 $0x1BF5;
	[smem:$0x3FBA] =	sst s0  }
0x18: {  	s0 =	sld [smem:$0x3F9D];
	_ =	swait.ge [sflag:s4], $0x0  }
0x19: {  	s7 =	sld [smem:$0x3F9E]  }
0x1a: {  	s8 =	sadd.s32 $0xFFFFE003, lr  }
0x1b: {  	s9 =	sadd.s32 $0xFFFFFEF7, lr;
	s5 =	simm.s32 $0xFFFFFFFF;
	p2 =	slt.u32 s8, $0xFFFFF086  }
0x1c: {  	p1 =	slt.u32 s9, $0xF7A;
	s5 =	simm.s32 @!p2 $0x0  }
0x1d: {  	s5 =	simm.s32 @p1 $0x1;
	p0 =	seq.s32 s7, s2  }
0x1e: {  	s7 =	smul.u32 @!p0 $0xF7A, s2;
	p2 =	seq.s32 @!p0 s5, $0x0  }
0x1f: {  	s9 =	smul.u32 $0xF7A, s1;
	s8 =	simm.s32 @!p0 $0x1BF5;
	p2 =	por !p2, p0  }
0x20: {  	[sflag:s8] =	ssyncset.s32 @!p0 $0xFFFFF086;
	s6 =	sadd.s32 @!p0 s3, s7;
	s7 =	simm.s32 @!p0 $0x108  }
0x21: {  	s3 =	sadd.s32 s3, s9;
	s6 =	sadd.s32 @!p0 $0x88, s6;
	s7 =	simm.s32 @p2 $0x1082  }
0x22: {  	[simem:s7], [sflag:s8] =	dma.local @!p0 [hbm:s6], $0xF7A  }
0x23: {  	s9 =	sor.u32 $0xD0000000, s2;
	s6 =	simm.s32 $0x108;
	_ =	swait.ge @!p0 [sflag:s8], $0x0  }
0x24: {  	s3 =	sadd.s32 $0x88, s3;
	s6 =	simm.s32 @!p1 $0x1082;
	[sflag:s4] =	ssyncset.s32 $0xFFFFF086  }
0x25: {  	[simem:s6], [sflag:s4] =	dma.local [hbm:s3], $0xF7A  }
0x26: {  	[smem:$0x3F9E] =	sst s1;
	(tag) =	ssettag s2;
	_ =	strace s9  }
0x27: {  	s1 =	sld [smem:$0x3FAE]  }
0x28: {  	s2 =	sld [smem:$0x3FAF]  }
0x29: {  	s4 =	sld [smem:$0x3FB1]  }
0x2a: {  	p0 =	seq.s32 s5, $0x0;
	s5 =	sld [smem:$0x3FB2]  }
0x2b: {  	s6 =	sld [smem:$0x3FB3]  }
0x2c: {  	s7 =	sld [smem:$0x3FB4]  }
0x2d: {  	s3 =	simm.s32 $0x108;
	s8 =	sld [smem:$0x3FB5]  }
0x2e: {  	s3 =	simm.s32 @!p0 $0x1082;
	s9 =	sld [smem:$0x3FB6]  }
0x2f: {  	lr =	sadd.s32 s0, s3;
	s0 =	sld [smem:$0x3FAD]  }
0x30: {  	s3 =	sld [smem:$0x3FB0]  }
0x31: {  	[smem:$0x3FB9] =	sst s10  }
0x32: {  	s10 =	sld [smem:$0x3FB7];
	_ =	sdelay $0x3  }
0x33: {  	p0 =	seq.s32 s10, $0x1;
	s10 =	sld [smem:$0x3FB9];
	_ =	sdelay $0x3  }
0x34: {  	[smem:$0x3FB9] =	sst s10  }
0x35: {  	s10 =	sld [smem:$0x3FB8];
	_ =	sdelay $0x3  }
0x36: {  	p1 =	seq.s32 s10, $0x1;
	s10 =	sld [smem:$0x3FB9];
	_ =	sdelay $0x3  }
0x37: {  	[smem:$0x3FB9] =	sst s10  }
0x38: {  	s10 =	sld [smem:$0x3FBA]  }
0x39: {  	_ = 	snop;
	(pc) =	sbr.ind lr, $3  }
0x3a: {  	_ = 	snop  }
0x3b: {  	_ = 	snop  }
0x3c: {  	p2 =	seq.s32 s10, $0x1;
	s10 =	sld [smem:$0x3FB9]  }
0x3d: {  	_ =	shalt  }
0x3e: {  	_ =	shalt  }
0x3f: {  	_ =	shalt  }
0x40: {  	_ =	shalt  }
0x41: {  	_ =	shalt  }
0x42: {  	_ =	shalt  }
0x43: {  	_ =	shalt  }
0x44: {  	_ =	shalt  }
0x45: {  	_ =	shalt  }
0x46: {  	_ =	shalt  }
0x47: {  	_ =	shalt  }
0x48: {  	_ =	shalt  }
0x49: {  	_ =	shalt  }
0x4a: {  	_ =	shalt  }
0x4b: {  	_ =	shalt  }
0x4c: {  	_ =	shalt  }
0x4d: {  	_ =	shalt  }
0x4e: {  	_ =	shalt  }
0x4f: {  	_ =	shalt  }
0x50: {  	_ =	shalt  }
0x51: {  	_ =	shalt  }
0x52: {  	_ =	shalt  }
0x53: {  	_ =	shalt  }
0x54: {  	_ =	shalt  }
0x55: {  	_ =	shalt  }
0x56: {  	_ =	shalt  }
0x57: {  	_ =	shalt  }
0x58: {  	_ =	shalt  }
0x59: {  	_ =	shalt  }
0x5a: {  	_ =	shalt  }
0x5b: {  	_ =	shalt  }
0x5c: {  	_ =	shalt  }
0x5d: {  	_ =	shalt  }
0x5e: {  	_ =	shalt  }
0x5f: {  	_ =	shalt  }
0x60: {  	_ =	shalt  }
0x61: {  	_ =	shalt  }
0x62: {  	_ =	shalt  }
0x63: {  	_ =	shalt  }
0x64: {  	_ =	shalt  }
0x65: {  	_ =	shalt  }
0x66: {  	_ =	shalt  }
0x67: {  	_ =	shalt  }
0x68: {  	_ =	shalt  }
0x69: {  	_ =	shalt  }
0x6a: {  	_ =	shalt  }
0x6b: {  	_ =	shalt  }
0x6c: {  	_ =	shalt  }
0x6d: {  	_ =	shalt  }
0x6e: {  	_ =	shalt  }
0x6f: {  	_ =	shalt  }
0x70: {  	_ =	shalt  }
0x71: {  	_ =	shalt  }
0x72: {  	_ =	shalt  }
0x73: {  	_ =	shalt  }
0x74: {  	_ =	shalt  }
0x75: {  	_ =	shalt  }
0x76: {  	_ =	shalt  }
0x77: {  	_ =	shalt  }
0x78: {  	_ =	shalt  }
0x79: {  	_ =	shalt  }
0x7a: {  	_ =	shalt  }
0x7b: {  	_ =	shalt  }
0x7c: {  	_ =	shalt  }
0x7d: {  	_ =	shalt  }
0x7e: {  	_ =	shalt  }
0x7f: {  	_ =	shalt  }
0x80: {  	_ =	shalt  }
0x81: {  	_ =	shalt  }
0x82: {  	_ =	shalt  }
0x83: {  	_ =	shalt  }
0x84: {  	_ =	shalt  }
0x85: {  	_ =	shalt  }
0x86: {  	_ =	shalt  }
0x87: {  	_ =	shalt  }
.Lfunc_end0:
.L_simem_size_0:
called_computation_lowered:
.L_overlay_start_0:
0x88: {  	s2 =	sld [smem:$0x3FD9]  }
0x89: {  	s3 =	sld [smem:$0x3FFE];
	_ =	sdelay $0x1  }
0x8a: {  	s1 =	srdreg.scid  }
0x8b: {  	s0 =	sand.u32 $0x1, s1  }
0x8c: {  	s17 =	sshll.u32 s0, $0xA;
	s2 =	sadd.s32 s3, s2  }
0x8d: {  	s2 =	sadd.s32 s2, s17  }
0x8e: {  	[smem:$0x3FC5] =	sst s2  }
0x8f: {  	_ = 	snop  }
0x90: {  	s2 =	sld [smem:$0x3FC9]  }
0x91: {  	s18 =	sld [smem:$0x3FC8]  }
0x92: {  	s4 =	sld [smem:$0x3FC7];
	(tm) =	ssettm $0x1  }
0x93: {  	s5 =	sld [smem:$0x3FFB];
	_ =	sdelay $0x3  }
0x94: {  	_ =	strace s5  }
0x95: {  	s5 =	sld [smem:$0x3FFC];
	_ =	sdelay $0x3  }
0x96: {  	_ =	strace s5  }
0x97: {  	s5 =	sld [smem:$0x3FFD];
	_ =	sdelay $0x3  }
0x98: {  	_ =	strace s5  }
0x99: {  	_ =	strace $0x8FFFFFFF  }
0x9a: {  	s19 =	sld [smem:$0x3FDB];
	_ =	sdelay $0x1  }
0x9b: {  	s6 =	simm.s32 $_scs_section_size  }
0x9c: {  	s7 =	simm.s32 $_size__tile_overlayer_lowered;
	s8 =	simm.s32 $_tile_overlayer_lowered  }
0x9d: {  	s22 =	simm.s32 $0x1BFF;
	s21 =	sshll.u32 s8, $0x1;
	s5 =	sadd.s32 s6, s19  }
0x9e: {  	s9 =	simm.s32 $0x0;
	s20 =	sshll.u32 s7, $0x1;
	s7 =	sadd.s32 s21, s5  }
0x9f: {  	[timem:s9], [sflag:s22] =	dma.local [hbm:s7], s20  }
0xa0: {  	_ =	swait.ge [sflag:s22], s20  }
0xa1: {  	s6 =	ssub.s32 $0x0, s20;
	[sflag:s22] =	ssyncset.done $0x0  }
0xa2: {  	[sflag:s22] =	ssyncadd.s32 s6;
	_ =	sdelay $0x1  }
0xa3: {  	s23 =	simm.s32 $0x1B8B  }
0xa4: {  	_ =	swait.ge [sflag:s23], $0x1  }
0xa5: {  	[sflag:s23] =	ssyncset.done $0x0  }
0xa6: {  	s25 =	simm.s32 $0x1B8E;
	s24 =	sld [smem:$0x3FFE];
	[sflag:s23] =	ssyncadd.s32 $0xFFFFFFFF  }
0xa7: {  	s26 =	simm.s32 $execute0_lowered;
	[smem:$0x3FD2] =	sst s25  }
0xa8: {  	s7 =	sshll.u32 s26, $0x1;
	_ =	strace $0x80000046;
	[dreg:$0x1] =	wrdreg $0xFFFFFFFF  }
0xa9: {  	s28 =	simm.s32 $_size_execute0_lowered;
	s5 =	sadd.s32 s5, s7;
	[dreg:$0x0] =	wrdreg $0x0  }
0xaa: {  	s7 =	sshll.u32 s28, $0x1;
	[dreg:$0x2] =	wrdreg s5  }
0xab: {  	[dreg:$0x3] =	wrdreg s7  }
0xac: {  	[dreg:$0x4] =	wrdreg $0xC0  }
0xad: {  	_ =	task [dreg:s9], $0x5FFFF  }
0xae: {  	[dreg:$0x1] =	wrdreg $0xFFFFFFFF  }
0xaf: {  	[dreg:$0x0] =	wrdreg $0x60  }
0xb0: {  	[dreg:$0x2] =	wrdreg s2  }
0xb1: {  	[dreg:$0x3] =	wrdreg s18  }
0xb2: {  	[dreg:$0x4] =	wrdreg s4  }
0xb3: {  	[dreg:$0x5] =	wrdreg s24  }
0xb4: {  	[dreg:$0x6] =	wrdreg $0x9  }
0xb5: {  	_ =	task.clear_ibuf [dreg:s9], $0x7FFFF;
	_ =	strace $0x90000046  }
0xb6: {  	s29 =	simm.s32 $0x9;
	_ =	strace $0x80000048  }
0xb7: {  	_ =	swait.ge [sflag:s29], $0x1  }
0xb8: {  	[sflag:s29] =	ssyncadd.s32 $0xFFFFFFFF  }
0xb9: {  	_ =	strace $0x90000048  }
0xba: {  	_ =	sfence  }
0xbb: {  	s30 =	sld [smem:$0x0];
	_ =	sdelay $0x2  }
0xbc: {  	s31 =	sshll.u32 s1, $0xD;
	s1 =	sshrl.u32 s1, $0x2  }
0xbd: {  	s3 =	sand.u32 $0x4000, s31;
	s1 =	sadd.s32 s1, s30  }
0xbe: {  	s0 =	sor.u32 s3, s0;
	s1 =	sshll.u32 s1, $0x11  }
0xbf: {  	s0 =	sor.u32 s1, s0  }
0xc0: {  	s0 =	sadd.s32 $0x8F2B, s0  }
0xc1: {  	[sflag:s0] =	ssyncadd.remote.s32 $0x1  }
0xc2: {  	_ =	sfence.sel $0xFFFF  }
0xc3: {  	[dreg:$0x0] =	wrdreg $0xFFFFFFFF;
	(pc) =	sbr.abs _section_cstart, $3  }
0xc4: {  	[dreg:$0x1] =	wrdreg $0xFFFFFFFF  }
0xc5: {  	_ =	task.clear_ibuf [dreg:s9], $0x2FFFF;
	_ =	strace $0x9FFFFFFF  }
0xc6: {  	(tm) =	ssettm $0x7FFFFFFF  }
0xc7: {  	_ =	shalt  }
tec
execute0_lowered:
.L_overlay_start_1:
0x0: {  	(tag) =	ssettag $0x1  }
0x1: {  	s4 =	rddreg [dreg:$0x0]  }
0x2: {  	s5 =	rddreg [dreg:$0x1]  }
0x3: {  	s2 =	rddreg [dreg:$0x2]  }
0x4: {  	s6 =	rddreg [dreg:$0x3]  }
0x5: {  	s0 =	rddreg [dreg:$0x4];
	s7 =	srdreg.scid  }
0x6: {  	s1 =	stileid.u32;
	s3 =	simm.s32 $0x0;
	s12 =	simm.s32 $0x3  }
0x7: {  	s13 =	simm.s32 $0x80;
	s14 =	simm.s32 $0x8200;
	s15 =	simm.s32 $0x1  }
0x8: {  	s16 =	simm.s32 $0xC200;
	s17 =	simm.s32 $0x4200;
	s18 =	simm.s32 $0x2  }
0x9: {  	s19 =	simm.s32 $0x100;
	s20 =	simm.s32 $0x180;
	s21 =	simm.s32 $0x10200  }
0xa: {  	s22 =	simm.s32 $0x0;
	s7 =	sand.u32 $0x1, s7;
	s8 =	sshll.u32 s1, $0x1  }
0xb: {  	[smem:$0x7FF] =	sst s3;
	s8 =	sor.u32 s7, s8;
	s7 =	ssub.s32 $0x2, s7  }
0xc: {  	_ =	strace $0x80000047;
	s9 =	sshll.u32 s8, $0x4;
	s30 =	sshrl.u32 s7, $0x1  }
0xd: {  	s10 =	sshll.u32 s8, $0xD;
	s31 =	sshll.u32 s8, $0x6;
	s9 =	sadd.s32 s9, s6  }
0xe: {  	s11 =	ssub.s32 s7, s30;
	s4 =	sadd.s32 s4, s10;
	s5 =	sadd.s32 s5, s31  }
0xf: {  	v0 =	vlaneseq.u32;
	s6 =	sadd.s32 $0x800, s4;
	s7 =	sadd.s32 $0x1000, s4;
	s8 =	sadd.s32 $0x1800, s4  }
0x10: {  	v1 =	vmul.u32 $0x80, v0;
	s9 =	sadd.s32 $0x600, s9;
	s10 =	smax.u32 s11, $0x1;
	s11 =	simm.s32 $0x200  }
.LBB2_1:
0x11: {  	[tilespmem:s11], [sflag:$0x1] =	stream.linear.gather [hbm4b:s4+s3], $0x4000, $0x38;
	[tilespmem:$0x10280] =	vst v63  }
0x12: {  	_ = 	snop  }
0x13: {  	[tilespmem:s3], [sflag:$0x3] =	stream.linear.gather [hbm4b:s5+s3], $0x200, $0x38;
	[tilespmem:$0x10280] =	vst v63  }
0x14: {  	_ =	swait.ge [sflag:s12], $0x200  }
0x15: {  	[sflag:s12] =	ssyncset.done $0x0  }
0x16: {  	[sflag:s12] =	ssyncadd.s32 $0xFFFFFE00  }
0x17: {  	[tilespmem:s14], [sflag:$0x1] =	stream.indirect.gather [hbm4b:s2+s13], $0x80, s3, s13, $0xb8;
	[tilespmem:$0x10280] =	vst v63  }
0x18: {  	_ =	swait.ge [sflag:s15], $0x4000  }
0x19: {  	[sflag:s15] =	ssyncset.done $0x0  }
0x1a: {  	[sflag:s15] =	ssyncadd.s32 $0xFFFFC000  }
0x1b: {  	_ =	swait.ge [sflag:s15], $0x4000  }
0x1c: {  	[sflag:s15] =	ssyncset.done $0x0  }
0x1d: {  	[sflag:s15] =	ssyncadd.s32 $0xFFFFC000  }
0x1e: {  	[tilespmem:s16], [sflag:$0x2] =	stream.indirect.gather [hbm4b:s2+s13], $0x80, s13, s13, $0xb8;
	[tilespmem:$0x10280] =	vst v63  }
0x1f: {  	s23 =	simm.s32 $0x0  }
0x20: {  	v3 =	vimm.f32 $0.0e+00;
	v2 =	vimm.f32 $0.0e+00;
	[tilespmem:s17], [sflag:$0x2] =	stream.linear.gather [hbm4b:s6+s3], $0x4000, $0x38;
	[tilespmem:$0x10280] =	vst v63  }
.LBB2_2:
0x21: {  	s24 =	sshll.u32 s23, $0x4  }
0x22: {  	s26 =	simm.s32 $0x0;
	v4 =	vmov s24  }
0x23: {  	v5 =	vadd.s32 s26, v0;
	v4 =	vshll.u32 v4, $0x7  }
0x24: {  	s28 =	simm.s32 $0x1;
	v7 =	vor.u32 v1, v4;
	v4 =	vand.u32 $0x7F, v5  }
0x25: {  	v5 =	vadd.s32 s28, v0;
	v4 =	vor.u32 v7, v4  }
0x26: {  	v5 =	vand.u32 $0x7F, v5  }
0x27: {  	v5 =	vor.u32 v7, v5;
	_ =	sdelay $0x1  }
0x28: {  	s29 =	simm.s32 $0x2  }
0x29: {  	v6 =	vadd.s32 s29, v0;
	v8 =	vld.idx.msk [tilespmem:v4+s11+$0x0], $0xffff  }
0x2a: {  	s30 =	simm.s32 $0x3;
	v6 =	vand.u32 $0x7F, v6;
	v10 =	vld.idx.msk [tilespmem:v4+s14+$0x0], $0xffff  }
0x2b: {  	v6 =	vor.u32 v7, v6;
	v4 =	vadd.s32 s30, v0;
	v14 =	vld.idx.msk [tilespmem:v5+s11+$0x0], $0xffff  }
0x2c: {  	v4 =	vand.u32 $0x7F, v4;
	v9 =	vld.idx.msk [tilespmem:v5+s14+$0x0], $0xffff  }
0x2d: {  	s25 =	simm.s32 $0x5;
	v11 =	vor.u32 v7, v4  }
0x2e: {  	s31 =	simm.s32 $0x4;
	v5 =	vadd.s32 s25, v0  }
0x2f: {  	v4 =	vadd.s32 s31, v0;
	v13 =	vand.u32 $0x7F, v5;
	v15 =	vmul.f32 v10, v8  }
0x30: {  	v5 =	vld.idx.msk [tilespmem:v6+s14+$0x0], $0xffff;
	v12 =	vand.u32 $0x7F, v4;
	v16 =	vmul.f32 v8, v8;
	v17 =	vmul.f32 v10, v10  }
0x31: {  	v4 =	vld.idx.msk [tilespmem:v6+s11+$0x0], $0xffff;
	v12 =	vor.u32 v7, v12;
	v10 =	vmul.f32 v9, v14;
	v18 =	vmul.f32 v14, v14  }
0x32: {  	s24 =	simm.s32 $0x6;
	v14 =	vimm.f32 $0.0e+00;
	v8 =	vadd.f32 v15, v3;
	v6 =	vld.idx.msk [tilespmem:v11+s11+$0x0], $0xffff;
	v15 =	vimm.f32 $0.0e+00  }
.LBB2_3:
0x33: {  	p0 =	slt.u32 s24, $0x7E;
	v14 =	vadd.f32 v16, v14;
	v15 =	vadd.f32 v17, v15;
	v17 =	vmul.f32 v9, v9;
	v9 =	vld.idx.msk [tilespmem:v11+s14+$0x0], $0xffff  }
0x34: {  	v11 =	vor.u32 v7, v13;
	v8 =	vadd.f32 v10, v8  }
.Ltmp0:
0x35: {  	s25 =	sadd.s32 $0x1, s24;
	v14 =	vadd.f32 v18, v14;
	v15 =	vadd.f32 v17, v15;
	(pc) =	sbr.rel @p0 .LBB2_3-.Ltmp0, $4  }
0x36: {  	v10 =	vadd.s32 s24, v0;
	v13 =	vadd.s32 s25, v0;
	v16 =	vmov v4  }
0x37: {  	v10 =	vand.u32 $0x7F, v10;
	v13 =	vand.u32 $0x7F, v13;
	v18 =	vmul.f32 v5, v16;
	v4 =	vld.idx.msk [tilespmem:v12+s11+$0x0], $0xffff  }
0x38: {  	v16 =	vmul.f32 v16, v16;
	v17 =	vmul.f32 v5, v5;
	v5 =	vld.idx.msk [tilespmem:v12+s14+$0x0], $0xffff;
	v12 =	vor.u32 v7, v10  }
0x39: {  	s24 =	sadd.s32 $0x2, s24;
	v8 =	vadd.f32 v18, v8;
	v10 =	vmul.f32 v9, v6;
	v18 =	vmul.f32 v6, v6;
	v6 =	vld.idx.msk [tilespmem:v11+s11+$0x0], $0xffff  }
0x3a: {  	_ =	sdelay $0x1  }
0x3b: {  	v7 =	vor.u32 v7, v13;
	_ =	sdelay $0x1  }
0x3c: {  	v11 =	vld.idx.msk [tilespmem:v11+s14+$0x0], $0xffff;
	v45 =	vadd.f32 v16, v14  }
0x3d: {  	v46 =	vadd.f32 v17, v15;
	v9 =	vmul.f32 v9, v9;
	v47 =	vld.idx.msk [tilespmem:v12+s11+$0x0], $0xffff  }
0x3e: {  	v48 =	vld.idx.msk [tilespmem:v12+s14+$0x0], $0xffff;
	v13 =	vadd.f32 v18, v45;
	v49 =	vmul.f32 v4, v4  }
0x3f: {  	v9 =	vadd.f32 v9, v46;
	v50 =	vmul.f32 v5, v5;
	v51 =	vld.idx.msk [tilespmem:v7+s11+$0x0], $0xffff  }
0x40: {  	v52 =	vmul.f32 v6, v6;
	v13 =	vadd.f32 v49, v13;
	v7 =	vld.idx.msk [tilespmem:v7+s14+$0x0], $0xffff  }
0x41: {  	v9 =	vadd.f32 v50, v9;
	v53 =	vmul.f32 v11, v11  }
0x42: {  	v54 =	vmul.f32 v47, v47;
	v13 =	vadd.f32 v52, v13  }
0x43: {  	v55 =	vmul.f32 v48, v48;
	v9 =	vadd.f32 v53, v9  }
0x44: {  	v13 =	vadd.f32 v54, v13  }
0x45: {  	v9 =	vadd.f32 v55, v9;
	v56 =	vmul.f32 v51, v51;
	v57 =	vmul.f32 v7, v7;
	_ =	sdelay $0x1  }
0x46: {  	v13 =	vadd.f32 v56, v13;
	v9 =	vadd.f32 v57, v9;
	_ =	sdelay $0x1  }
0x47: {  	v13 =	vmax.f32 v13, $1.000000020e-24;
	v9 =	vmax.f32 v9, $1.000000020e-24  }
0x48: {  	v9 =	vmul.f32 v9, v13;
	_ =	sdelay $0x1  }
0x49: {  	v13 =	vshrl.u32 v9, $0x1;
	v9 =	vmul.f32 $5.000000000e-01, v9  }
0x4a: {  	v13 =	vsub.s32 $0x5F3759DF, v13  }
0x4b: {  	v58 =	vmul.f32 v13, v9;
	_ =	sdelay $0x1  }
0x4c: {  	v14 =	vmul.f32 v13, v58;
	_ =	sdelay $0x1  }
0x4d: {  	v14 =	vsub.f32 $1.500000000e+00, v14;
	_ =	sdelay $0x1  }
0x4e: {  	v13 =	vmul.f32 v13, v14;
	_ =	sdelay $0x1  }
0x4f: {  	v14 =	vmul.f32 v13, v9;
	_ =	sdelay $0x1  }
0x50: {  	v14 =	vmul.f32 v14, v13;
	_ =	sdelay $0x1  }
0x51: {  	v14 =	vsub.f32 $1.500000000e+00, v14;
	_ =	sdelay $0x1  }
0x52: {  	v8 =	vadd.f32 v10, v8;
	v4 =	vmul.f32 v5, v4;
	v5 =	vmul.f32 v14, v13;
	_ =	sdelay $0x1  }
0x53: {  	v4 =	vadd.f32 v4, v8;
	v59 =	vmul.f32 v11, v6;
	v60 =	vmul.f32 v5, v9;
	_ =	sdelay $0x1  }
0x54: {  	v61 =	vmul.f32 v48, v47;
	v4 =	vadd.f32 v59, v4;
	v8 =	vmul.f32 v60, v5;
	_ =	sdelay $0x1  }
0x55: {  	v4 =	vadd.f32 v61, v4;
	v62 =	vmul.f32 v7, v51;
	v63 =	vsub.f32 $1.500000000e+00, v8;
	_ =	sdelay $0x1  }
0x56: {  	v4 =	vadd.f32 v62, v4;
	v5 =	vmul.f32 v63, v5;
	_ =	sdelay $0x1  }
0x57: {  	s23 =	sadd.s32 $0x1, s23;
	v4 =	vmul.f32 v5, v4  }
0x58: {  	p0 =	sne.s32 s23, $0x8  }
.Ltmp1:
0x59: {  	v4 =	vsub.f32 $1.000000000e+00, v4;
	(pc) =	sbr.rel @p0 .LBB2_2-.Ltmp1, $4  }
0x5a: {  	_ = 	snop  }
0x5b: {  	v4 =	vmax.f32 v4, $0.0e+00  }
0x5c: {  	v4 =	vmin.f32 v4, $2.000000000e+00  }
0x5d: {  	v2 =	vadd.f32 v4, v2  }
0x5e: {  	_ =	swait.ge [sflag:s18], $0x4000  }
0x5f: {  	[sflag:s18] =	ssyncset.done $0x0  }
0x60: {  	[sflag:s18] =	ssyncadd.s32 $0xFFFFC000  }
0x61: {  	_ =	swait.ge [sflag:s18], $0x4000  }
0x62: {  	[sflag:s18] =	ssyncset.done $0x0  }
0x63: {  	[sflag:s18] =	ssyncadd.s32 $0xFFFFC000  }
0x64: {  	[tilespmem:s14], [sflag:$0x1] =	stream.indirect.gather [hbm4b:s2+s13], $0x80, s19, s13, $0xb8;
	[tilespmem:$0x10280] =	vst v63  }
0x65: {  	s23 =	simm.s32 $0x0;
	s24 =	simm.s32 $0x0  }
0x66: {  	[tilespmem:s11], [sflag:$0x1] =	stream.linear.gather [hbm4b:s7+s23], $0x4000, $0x38;
	[tilespmem:$0x10280] =	vst v63  }
.LBB2_6:
0x67: {  	s25 =	sshll.u32 s24, $0x4  }
0x68: {  	v3 =	vmov s25  }
0x69: {  	v4 =	vadd.s32 s23, v0;
	v3 =	vshll.u32 v3, $0x7  }
0x6a: {  	s28 =	simm.s32 $0x1;
	v6 =	vor.u32 v1, v3;
	v3 =	vand.u32 $0x7F, v4  }
0x6b: {  	v4 =	vadd.s32 s28, v0;
	v3 =	vor.u32 v6, v3  }
0x6c: {  	v4 =	vand.u32 $0x7F, v4  }
0x6d: {  	v4 =	vor.u32 v6, v4;
	_ =	sdelay $0x1  }
0x6e: {  	s29 =	simm.s32 $0x2  }
0x6f: {  	v5 =	vadd.s32 s29, v0;
	v7 =	vld.idx.msk [tilespmem:v3+s17+$0x0], $0xffff  }
0x70: {  	s30 =	simm.s32 $0x3;
	v5 =	vand.u32 $0x7F, v5;
	v9 =	vld.idx.msk [tilespmem:v3+s16+$0x0], $0xffff  }
0x71: {  	v5 =	vor.u32 v6, v5;
	v3 =	vadd.s32 s30, v0;
	v14 =	vld.idx.msk [tilespmem:v4+s17+$0x0], $0xffff  }
0x72: {  	v3 =	vand.u32 $0x7F, v3;
	v8 =	vld.idx.msk [tilespmem:v4+s16+$0x0], $0xffff  }
0x73: {  	s26 =	simm.s32 $0x5;
	v10 =	vor.u32 v6, v3  }
0x74: {  	s31 =	simm.s32 $0x4;
	v4 =	vadd.s32 s26, v0  }
0x75: {  	v12 =	vimm.f32 $0.0e+00;
	v3 =	vadd.s32 s31, v0;
	v13 =	vand.u32 $0x7F, v4  }
0x76: {  	v4 =	vld.idx.msk [tilespmem:v5+s17+$0x0], $0xffff;
	v3 =	vand.u32 $0x7F, v3;
	v17 =	vmul.f32 v9, v7;
	v15 =	vmul.f32 v7, v7  }
0x77: {  	v11 =	vor.u32 v6, v3;
	v3 =	vld.idx.msk [tilespmem:v5+s16+$0x0], $0xffff;
	v16 =	vmul.f32 v9, v9;
	v9 =	vmul.f32 v8, v14  }
0x78: {  	s25 =	simm.s32 $0x6;
	v7 =	vadd.f32 v17, v12;
	v5 =	vld.idx.msk [tilespmem:v10+s17+$0x0], $0xffff;
	v17 =	vmul.f32 v14, v14;
	v14 =	vimm.f32 $0.0e+00  }
.LBB2_7:
0x79: {  	p0 =	slt.u32 s25, $0x7E;
	v12 =	vadd.f32 v15, v12;
	v14 =	vadd.f32 v16, v14;
	v16 =	vmul.f32 v8, v8;
	v8 =	vld.idx.msk [tilespmem:v10+s16+$0x0], $0xffff  }
0x7a: {  	v10 =	vor.u32 v6, v13;
	v7 =	vadd.f32 v9, v7  }
.Ltmp2:
0x7b: {  	s26 =	sadd.s32 $0x1, s25;
	v12 =	vadd.f32 v17, v12;
	v14 =	vadd.f32 v16, v14;
	(pc) =	sbr.rel @p0 .LBB2_7-.Ltmp2, $4  }
0x7c: {  	v9 =	vadd.s32 s25, v0;
	v13 =	vadd.s32 s26, v0;
	v15 =	vmov v4  }
0x7d: {  	v9 =	vand.u32 $0x7F, v9;
	v13 =	vand.u32 $0x7F, v13;
	v17 =	vmul.f32 v3, v15;
	v4 =	vld.idx.msk [tilespmem:v11+s17+$0x0], $0xffff  }
0x7e: {  	v15 =	vmul.f32 v15, v15;
	v16 =	vmul.f32 v3, v3;
	v3 =	vld.idx.msk [tilespmem:v11+s16+$0x0], $0xffff;
	v11 =	vor.u32 v6, v9  }
0x7f: {  	s25 =	sadd.s32 $0x2, s25;
	v7 =	vadd.f32 v17, v7;
	v9 =	vmul.f32 v8, v5;
	v17 =	vmul.f32 v5, v5;
	v5 =	vld.idx.msk [tilespmem:v10+s17+$0x0], $0xffff  }
0x80: {  	_ =	sdelay $0x1  }
0x81: {  	v6 =	vor.u32 v6, v13;
	_ =	sdelay $0x1  }
0x82: {  	v10 =	vld.idx.msk [tilespmem:v10+s16+$0x0], $0xffff;
	v12 =	vadd.f32 v15, v12  }
0x83: {  	v45 =	vadd.f32 v16, v14;
	v8 =	vmul.f32 v8, v8;
	v46 =	vld.idx.msk [tilespmem:v11+s17+$0x0], $0xffff  }
0x84: {  	v47 =	vld.idx.msk [tilespmem:v11+s16+$0x0], $0xffff;
	v12 =	vadd.f32 v17, v12;
	v48 =	vmul.f32 v4, v4  }
0x85: {  	v8 =	vadd.f32 v8, v45;
	v49 =	vmul.f32 v3, v3;
	v50 =	vld.idx.msk [tilespmem:v6+s17+$0x0], $0xffff  }
0x86: {  	v51 =	vmul.f32 v5, v5;
	v12 =	vadd.f32 v48, v12;
	v6 =	vld.idx.msk [tilespmem:v6+s16+$0x0], $0xffff  }
0x87: {  	v8 =	vadd.f32 v49, v8;
	v52 =	vmul.f32 v10, v10  }
0x88: {  	v53 =	vmul.f32 v46, v46;
	v12 =	vadd.f32 v51, v12  }
0x89: {  	v54 =	vmul.f32 v47, v47;
	v8 =	vadd.f32 v52, v8  }
0x8a: {  	v12 =	vadd.f32 v53, v12  }
0x8b: {  	v8 =	vadd.f32 v54, v8;
	v55 =	vmul.f32 v50, v50;
	v56 =	vmul.f32 v6, v6;
	_ =	sdelay $0x1  }
0x8c: {  	v12 =	vadd.f32 v55, v12;
	v8 =	vadd.f32 v56, v8;
	_ =	sdelay $0x1  }
0x8d: {  	v12 =	vmax.f32 v12, $1.000000020e-24;
	v8 =	vmax.f32 v8, $1.000000020e-24  }
0x8e: {  	v8 =	vmul.f32 v8, v12;
	_ =	sdelay $0x1  }
0x8f: {  	v12 =	vshrl.u32 v8, $0x1;
	v8 =	vmul.f32 $5.000000000e-01, v8  }
0x90: {  	v12 =	vsub.s32 $0x5F3759DF, v12  }
0x91: {  	v57 =	vmul.f32 v12, v8;
	_ =	sdelay $0x1  }
0x92: {  	v13 =	vmul.f32 v12, v57;
	_ =	sdelay $0x1  }
0x93: {  	v13 =	vsub.f32 $1.500000000e+00, v13;
	_ =	sdelay $0x1  }
0x94: {  	v12 =	vmul.f32 v12, v13;
	_ =	sdelay $0x1  }
0x95: {  	v13 =	vmul.f32 v12, v8;
	_ =	sdelay $0x1  }
0x96: {  	v13 =	vmul.f32 v13, v12;
	_ =	sdelay $0x1  }
0x97: {  	v13 =	vsub.f32 $1.500000000e+00, v13;
	_ =	sdelay $0x1  }
0x98: {  	v7 =	vadd.f32 v9, v7;
	v3 =	vmul.f32 v3, v4;
	v58 =	vmul.f32 v13, v12;
	_ =	sdelay $0x1  }
0x99: {  	v3 =	vadd.f32 v3, v7;
	v59 =	vmul.f32 v10, v5;
	v60 =	vmul.f32 v58, v8;
	_ =	sdelay $0x1  }
0x9a: {  	v61 =	vmul.f32 v47, v46;
	v3 =	vadd.f32 v59, v3;
	v7 =	vmul.f32 v60, v58;
	_ =	sdelay $0x1  }
0x9b: {  	v3 =	vadd.f32 v61, v3;
	v62 =	vmul.f32 v6, v50;
	v63 =	vsub.f32 $1.500000000e+00, v7;
	_ =	sdelay $0x1  }
0x9c: {  	v3 =	vadd.f32 v62, v3;
	v4 =	vmul.f32 v63, v58;
	_ =	sdelay $0x1  }
0x9d: {  	s24 =	sadd.s32 $0x1, s24;
	v3 =	vmul.f32 v4, v3  }
0x9e: {  	p0 =	sne.s32 s24, $0x8  }
.Ltmp3:
0x9f: {  	v3 =	vsub.f32 $1.000000000e+00, v3;
	(pc) =	sbr.rel @p0 .LBB2_6-.Ltmp3, $4  }
0xa0: {  	_ = 	snop  }
0xa1: {  	v3 =	vmax.f32 v3, $0.0e+00  }
0xa2: {  	v3 =	vmin.f32 v3, $2.000000000e+00  }
0xa3: {  	v2 =	vadd.f32 v3, v2  }
0xa4: {  	_ =	swait.ge [sflag:s15], $0x4000  }
0xa5: {  	[sflag:s15] =	ssyncset.done $0x0  }
0xa6: {  	[sflag:s15] =	ssyncadd.s32 $0xFFFFC000  }
0xa7: {  	_ =	swait.ge [sflag:s15], $0x4000  }
0xa8: {  	[sflag:s15] =	ssyncset.done $0x0  }
0xa9: {  	[sflag:s15] =	ssyncadd.s32 $0xFFFFC000  }
0xaa: {  	[tilespmem:s16], [sflag:$0x2] =	stream.indirect.gather [hbm4b:s2+s13], $0x80, s20, s13, $0xb8;
	[tilespmem:$0x10280] =	vst v63  }
0xab: {  	s23 =	simm.s32 $0x0;
	s24 =	simm.s32 $0x0  }
0xac: {  	[tilespmem:s17], [sflag:$0x2] =	stream.linear.gather [hbm4b:s8+s23], $0x4000, $0x38;
	[tilespmem:$0x10280] =	vst v63  }
.LBB2_10:
0xad: {  	s25 =	sshll.u32 s24, $0x4  }
0xae: {  	v3 =	vmov s25  }
0xaf: {  	v4 =	vadd.s32 s23, v0;
	v3 =	vshll.u32 v3, $0x7  }
0xb0: {  	s28 =	simm.s32 $0x1;
	v6 =	vor.u32 v1, v3;
	v3 =	vand.u32 $0x7F, v4  }
0xb1: {  	v4 =	vadd.s32 s28, v0;
	v3 =	vor.u32 v6, v3  }
0xb2: {  	v4 =	vand.u32 $0x7F, v4  }
0xb3: {  	v4 =	vor.u32 v6, v4;
	_ =	sdelay $0x1  }
0xb4: {  	s29 =	simm.s32 $0x2  }
0xb5: {  	v5 =	vadd.s32 s29, v0;
	v7 =	vld.idx.msk [tilespmem:v3+s11+$0x0], $0xffff  }
0xb6: {  	s30 =	simm.s32 $0x3;
	v5 =	vand.u32 $0x7F, v5;
	v9 =	vld.idx.msk [tilespmem:v3+s14+$0x0], $0xffff  }
0xb7: {  	v5 =	vor.u32 v6, v5;
	v3 =	vadd.s32 s30, v0;
	v14 =	vld.idx.msk [tilespmem:v4+s11+$0x0], $0xffff  }
0xb8: {  	v3 =	vand.u32 $0x7F, v3;
	v8 =	vld.idx.msk [tilespmem:v4+s14+$0x0], $0xffff  }
0xb9: {  	s26 =	simm.s32 $0x5;
	v10 =	vor.u32 v6, v3  }
0xba: {  	s31 =	simm.s32 $0x4;
	v4 =	vadd.s32 s26, v0  }
0xbb: {  	v12 =	vimm.f32 $0.0e+00;
	v3 =	vadd.s32 s31, v0;
	v13 =	vand.u32 $0x7F, v4  }
0xbc: {  	v4 =	vld.idx.msk [tilespmem:v5+s11+$0x0], $0xffff;
	v3 =	vand.u32 $0x7F, v3;
	v17 =	vmul.f32 v9, v7;
	v15 =	vmul.f32 v7, v7  }
0xbd: {  	v11 =	vor.u32 v6, v3;
	v3 =	vld.idx.msk [tilespmem:v5+s14+$0x0], $0xffff;
	v16 =	vmul.f32 v9, v9;
	v9 =	vmul.f32 v8, v14  }
0xbe: {  	s25 =	simm.s32 $0x6;
	v7 =	vadd.f32 v17, v12;
	v5 =	vld.idx.msk [tilespmem:v10+s11+$0x0], $0xffff;
	v17 =	vmul.f32 v14, v14;
	v14 =	vimm.f32 $0.0e+00  }
.LBB2_11:
0xbf: {  	p0 =	slt.u32 s25, $0x7E;
	v12 =	vadd.f32 v15, v12;
	v14 =	vadd.f32 v16, v14;
	v16 =	vmul.f32 v8, v8;
	v8 =	vld.idx.msk [tilespmem:v10+s14+$0x0], $0xffff  }
0xc0: {  	v10 =	vor.u32 v6, v13;
	v7 =	vadd.f32 v9, v7  }
.Ltmp4:
0xc1: {  	s26 =	sadd.s32 $0x1, s25;
	v12 =	vadd.f32 v17, v12;
	v14 =	vadd.f32 v16, v14;
	(pc) =	sbr.rel @p0 .LBB2_11-.Ltmp4, $4  }
0xc2: {  	v9 =	vadd.s32 s25, v0;
	v13 =	vadd.s32 s26, v0;
	v15 =	vmov v4  }
0xc3: {  	v9 =	vand.u32 $0x7F, v9;
	v13 =	vand.u32 $0x7F, v13;
	v17 =	vmul.f32 v3, v15;
	v4 =	vld.idx.msk [tilespmem:v11+s11+$0x0], $0xffff  }
0xc4: {  	v15 =	vmul.f32 v15, v15;
	v16 =	vmul.f32 v3, v3;
	v3 =	vld.idx.msk [tilespmem:v11+s14+$0x0], $0xffff;
	v11 =	vor.u32 v6, v9  }
0xc5: {  	s25 =	sadd.s32 $0x2, s25;
	v7 =	vadd.f32 v17, v7;
	v9 =	vmul.f32 v8, v5;
	v17 =	vmul.f32 v5, v5;
	v5 =	vld.idx.msk [tilespmem:v10+s11+$0x0], $0xffff  }
0xc6: {  	_ =	sdelay $0x1  }
0xc7: {  	v6 =	vor.u32 v6, v13;
	_ =	sdelay $0x1  }
0xc8: {  	v10 =	vld.idx.msk [tilespmem:v10+s14+$0x0], $0xffff;
	v12 =	vadd.f32 v15, v12  }
0xc9: {  	v45 =	vadd.f32 v16, v14;
	v8 =	vmul.f32 v8, v8;
	v46 =	vld.idx.msk [tilespmem:v11+s11+$0x0], $0xffff  }
0xca: {  	v47 =	vld.idx.msk [tilespmem:v11+s14+$0x0], $0xffff;
	v12 =	vadd.f32 v17, v12;
	v48 =	vmul.f32 v4, v4  }
0xcb: {  	v8 =	vadd.f32 v8, v45;
	v49 =	vmul.f32 v3, v3;
	v50 =	vld.idx.msk [tilespmem:v6+s11+$0x0], $0xffff  }
0xcc: {  	v51 =	vmul.f32 v5, v5;
	v12 =	vadd.f32 v48, v12;
	v6 =	vld.idx.msk [tilespmem:v6+s14+$0x0], $0xffff  }
0xcd: {  	v8 =	vadd.f32 v49, v8;
	v52 =	vmul.f32 v10, v10  }
0xce: {  	v53 =	vmul.f32 v46, v46;
	v12 =	vadd.f32 v51, v12  }
0xcf: {  	v54 =	vmul.f32 v47, v47;
	v8 =	vadd.f32 v52, v8  }
0xd0: {  	v12 =	vadd.f32 v53, v12  }
0xd1: {  	v8 =	vadd.f32 v54, v8;
	v55 =	vmul.f32 v50, v50;
	v56 =	vmul.f32 v6, v6;
	_ =	sdelay $0x1  }
0xd2: {  	v12 =	vadd.f32 v55, v12;
	v8 =	vadd.f32 v56, v8;
	_ =	sdelay $0x1  }
0xd3: {  	v12 =	vmax.f32 v12, $1.000000020e-24;
	v8 =	vmax.f32 v8, $1.000000020e-24  }
0xd4: {  	v8 =	vmul.f32 v8, v12;
	_ =	sdelay $0x1  }
0xd5: {  	v12 =	vshrl.u32 v8, $0x1;
	v8 =	vmul.f32 $5.000000000e-01, v8  }
0xd6: {  	v12 =	vsub.s32 $0x5F3759DF, v12  }
0xd7: {  	v57 =	vmul.f32 v12, v8;
	_ =	sdelay $0x1  }
0xd8: {  	v13 =	vmul.f32 v12, v57;
	_ =	sdelay $0x1  }
0xd9: {  	v13 =	vsub.f32 $1.500000000e+00, v13;
	_ =	sdelay $0x1  }
0xda: {  	v12 =	vmul.f32 v12, v13;
	_ =	sdelay $0x1  }
0xdb: {  	v13 =	vmul.f32 v12, v8;
	_ =	sdelay $0x1  }
0xdc: {  	v13 =	vmul.f32 v13, v12;
	_ =	sdelay $0x1  }
0xdd: {  	v13 =	vsub.f32 $1.500000000e+00, v13;
	_ =	sdelay $0x1  }
0xde: {  	v7 =	vadd.f32 v9, v7;
	v3 =	vmul.f32 v3, v4;
	v58 =	vmul.f32 v13, v12;
	_ =	sdelay $0x1  }
0xdf: {  	v3 =	vadd.f32 v3, v7;
	v59 =	vmul.f32 v10, v5;
	v60 =	vmul.f32 v58, v8;
	_ =	sdelay $0x1  }
0xe0: {  	v61 =	vmul.f32 v47, v46;
	v3 =	vadd.f32 v59, v3;
	v7 =	vmul.f32 v60, v58;
	_ =	sdelay $0x1  }
0xe1: {  	v3 =	vadd.f32 v61, v3;
	v62 =	vmul.f32 v6, v50;
	v63 =	vsub.f32 $1.500000000e+00, v7;
	_ =	sdelay $0x1  }
0xe2: {  	v3 =	vadd.f32 v62, v3;
	v4 =	vmul.f32 v63, v58;
	_ =	sdelay $0x1  }
0xe3: {  	s24 =	sadd.s32 $0x1, s24;
	v3 =	vmul.f32 v4, v3  }
0xe4: {  	p0 =	sne.s32 s24, $0x8  }
.Ltmp5:
0xe5: {  	v3 =	vsub.f32 $1.000000000e+00, v3;
	(pc) =	sbr.rel @p0 .LBB2_10-.Ltmp5, $4  }
0xe6: {  	_ = 	snop  }
0xe7: {  	v3 =	vmax.f32 v3, $0.0e+00  }
0xe8: {  	v3 =	vmin.f32 v3, $2.000000000e+00  }
0xe9: {  	v2 =	vadd.f32 v3, v2  }
0xea: {  	_ =	swait.ge [sflag:s18], $0x4000  }
0xeb: {  	[sflag:s18] =	ssyncset.done $0x0  }
0xec: {  	[sflag:s18] =	ssyncadd.s32 $0xFFFFC000  }
0xed: {  	_ =	swait.ge [sflag:s18], $0x4000  }
0xee: {  	[sflag:s18] =	ssyncset.done $0x0  }
0xef: {  	s23 =	simm.s32 $0x0;
	s24 =	simm.s32 $0x0;
	[sflag:s18] =	ssyncadd.s32 $0xFFFFC000  }
.LBB2_14:
0xf0: {  	s25 =	sshll.u32 s24, $0x4  }
0xf1: {  	v3 =	vmov s25  }
0xf2: {  	v4 =	vadd.s32 s23, v0;
	v3 =	vshll.u32 v3, $0x7  }
0xf3: {  	s28 =	simm.s32 $0x1;
	v6 =	vor.u32 v1, v3;
	v3 =	vand.u32 $0x7F, v4  }
0xf4: {  	v4 =	vadd.s32 s28, v0;
	v3 =	vor.u32 v6, v3  }
0xf5: {  	v4 =	vand.u32 $0x7F, v4  }
0xf6: {  	v4 =	vor.u32 v6, v4;
	_ =	sdelay $0x1  }
0xf7: {  	s29 =	simm.s32 $0x2  }
0xf8: {  	v5 =	vadd.s32 s29, v0;
	v7 =	vld.idx.msk [tilespmem:v3+s17+$0x0], $0xffff  }
0xf9: {  	s30 =	simm.s32 $0x3;
	v5 =	vand.u32 $0x7F, v5;
	v9 =	vld.idx.msk [tilespmem:v3+s16+$0x0], $0xffff  }
0xfa: {  	v5 =	vor.u32 v6, v5;
	v3 =	vadd.s32 s30, v0;
	v14 =	vld.idx.msk [tilespmem:v4+s17+$0x0], $0xffff  }
0xfb: {  	v3 =	vand.u32 $0x7F, v3;
	v8 =	vld.idx.msk [tilespmem:v4+s16+$0x0], $0xffff  }
0xfc: {  	s26 =	simm.s32 $0x5;
	v10 =	vor.u32 v6, v3  }
0xfd: {  	s31 =	simm.s32 $0x4;
	v4 =	vadd.s32 s26, v0  }
0xfe: {  	v12 =	vimm.f32 $0.0e+00;
	v3 =	vadd.s32 s31, v0;
	v13 =	vand.u32 $0x7F, v4  }
0xff: {  	v4 =	vld.idx.msk [tilespmem:v5+s17+$0x0], $0xffff;
	v3 =	vand.u32 $0x7F, v3;
	v17 =	vmul.f32 v9, v7;
	v15 =	vmul.f32 v7, v7  }
0x100: {  	v11 =	vor.u32 v6, v3;
	v3 =	vld.idx.msk [tilespmem:v5+s16+$0x0], $0xffff;
	v16 =	vmul.f32 v9, v9;
	v9 =	vmul.f32 v8, v14  }
0x101: {  	s25 =	simm.s32 $0x6;
	v7 =	vadd.f32 v17, v12;
	v5 =	vld.idx.msk [tilespmem:v10+s17+$0x0], $0xffff;
	v17 =	vmul.f32 v14, v14;
	v14 =	vimm.f32 $0.0e+00  }
.LBB2_15:
0x102: {  	p0 =	slt.u32 s25, $0x7E;
	v12 =	vadd.f32 v15, v12;
	v14 =	vadd.f32 v16, v14;
	v16 =	vmul.f32 v8, v8;
	v8 =	vld.idx.msk [tilespmem:v10+s16+$0x0], $0xffff  }
0x103: {  	v10 =	vor.u32 v6, v13;
	v7 =	vadd.f32 v9, v7  }
.Ltmp6:
0x104: {  	s26 =	sadd.s32 $0x1, s25;
	v12 =	vadd.f32 v17, v12;
	v14 =	vadd.f32 v16, v14;
	(pc) =	sbr.rel @p0 .LBB2_15-.Ltmp6, $4  }
0x105: {  	v9 =	vadd.s32 s25, v0;
	v13 =	vadd.s32 s26, v0;
	v15 =	vmov v4  }
0x106: {  	v9 =	vand.u32 $0x7F, v9;
	v13 =	vand.u32 $0x7F, v13;
	v17 =	vmul.f32 v3, v15;
	v4 =	vld.idx.msk [tilespmem:v11+s17+$0x0], $0xffff  }
0x107: {  	v15 =	vmul.f32 v15, v15;
	v16 =	vmul.f32 v3, v3;
	v3 =	vld.idx.msk [tilespmem:v11+s16+$0x0], $0xffff;
	v11 =	vor.u32 v6, v9  }
0x108: {  	s25 =	sadd.s32 $0x2, s25;
	v7 =	vadd.f32 v17, v7;
	v9 =	vmul.f32 v8, v5;
	v17 =	vmul.f32 v5, v5;
	v5 =	vld.idx.msk [tilespmem:v10+s17+$0x0], $0xffff  }
0x109: {  	_ =	sdelay $0x1  }
0x10a: {  	v6 =	vor.u32 v6, v13;
	_ =	sdelay $0x1  }
0x10b: {  	v10 =	vld.idx.msk [tilespmem:v10+s16+$0x0], $0xffff;
	v12 =	vadd.f32 v15, v12  }
0x10c: {  	v45 =	vadd.f32 v16, v14;
	v8 =	vmul.f32 v8, v8;
	v46 =	vld.idx.msk [tilespmem:v11+s17+$0x0], $0xffff  }
0x10d: {  	v47 =	vld.idx.msk [tilespmem:v11+s16+$0x0], $0xffff;
	v12 =	vadd.f32 v17, v12;
	v48 =	vmul.f32 v4, v4  }
0x10e: {  	v8 =	vadd.f32 v8, v45;
	v49 =	vmul.f32 v3, v3;
	v50 =	vld.idx.msk [tilespmem:v6+s17+$0x0], $0xffff  }
0x10f: {  	v51 =	vmul.f32 v5, v5;
	v12 =	vadd.f32 v48, v12;
	v6 =	vld.idx.msk [tilespmem:v6+s16+$0x0], $0xffff  }
0x110: {  	v8 =	vadd.f32 v49, v8;
	v52 =	vmul.f32 v10, v10  }
0x111: {  	v53 =	vmul.f32 v46, v46;
	v12 =	vadd.f32 v51, v12  }
0x112: {  	v54 =	vmul.f32 v47, v47;
	v8 =	vadd.f32 v52, v8  }
0x113: {  	v12 =	vadd.f32 v53, v12  }
0x114: {  	v8 =	vadd.f32 v54, v8;
	v55 =	vmul.f32 v50, v50;
	v56 =	vmul.f32 v6, v6;
	_ =	sdelay $0x1  }
0x115: {  	v12 =	vadd.f32 v55, v12;
	v8 =	vadd.f32 v56, v8;
	_ =	sdelay $0x1  }
0x116: {  	v12 =	vmax.f32 v12, $1.000000020e-24;
	v8 =	vmax.f32 v8, $1.000000020e-24  }
0x117: {  	v8 =	vmul.f32 v8, v12;
	_ =	sdelay $0x1  }
0x118: {  	v12 =	vshrl.u32 v8, $0x1;
	v8 =	vmul.f32 $5.000000000e-01, v8  }
0x119: {  	v12 =	vsub.s32 $0x5F3759DF, v12  }
0x11a: {  	v57 =	vmul.f32 v12, v8;
	_ =	sdelay $0x1  }
0x11b: {  	v13 =	vmul.f32 v12, v57;
	_ =	sdelay $0x1  }
0x11c: {  	v13 =	vsub.f32 $1.500000000e+00, v13;
	_ =	sdelay $0x1  }
0x11d: {  	v12 =	vmul.f32 v12, v13;
	_ =	sdelay $0x1  }
0x11e: {  	v13 =	vmul.f32 v12, v8;
	_ =	sdelay $0x1  }
0x11f: {  	v13 =	vmul.f32 v13, v12;
	_ =	sdelay $0x1  }
0x120: {  	v13 =	vsub.f32 $1.500000000e+00, v13;
	_ =	sdelay $0x1  }
0x121: {  	v7 =	vadd.f32 v9, v7;
	v3 =	vmul.f32 v3, v4;
	v58 =	vmul.f32 v13, v12;
	_ =	sdelay $0x1  }
0x122: {  	v3 =	vadd.f32 v3, v7;
	v59 =	vmul.f32 v10, v5;
	v60 =	vmul.f32 v58, v8;
	_ =	sdelay $0x1  }
0x123: {  	v61 =	vmul.f32 v47, v46;
	v3 =	vadd.f32 v59, v3;
	v7 =	vmul.f32 v60, v58;
	_ =	sdelay $0x1  }
0x124: {  	v3 =	vadd.f32 v61, v3;
	v62 =	vmul.f32 v6, v50;
	v63 =	vsub.f32 $1.500000000e+00, v7;
	_ =	sdelay $0x1  }
0x125: {  	v3 =	vadd.f32 v62, v3;
	v4 =	vmul.f32 v63, v58;
	_ =	sdelay $0x1  }
0x126: {  	s24 =	sadd.s32 $0x1, s24;
	v3 =	vmul.f32 v4, v3  }
0x127: {  	p0 =	sne.s32 s24, $0x8  }
.Ltmp7:
0x128: {  	v3 =	vsub.f32 $1.000000000e+00, v3;
	(pc) =	sbr.rel @p0 .LBB2_14-.Ltmp7, $4  }
0x129: {  	_ = 	snop  }
0x12a: {  	v3 =	vmax.f32 v3, $0.0e+00  }
0x12b: {  	v3 =	vmin.f32 v3, $2.000000000e+00  }
0x12c: {  	v2 =	vadd.f32 v3, v2  }
0x12d: {  	s22 =	sadd.s32 $0x1, s22  }
0x12e: {  	p0 =	sne.s32 s22, s10  }
.Ltmp8:
0x12f: {  	[tilespmem:$0x10200] =	vst v2;
	(pc) =	sbr.rel @p0 .LBB2_1-.Ltmp8, $4  }
0x130: {  	[hbm4b:s9+s3] =	stream.linear.scatter [tilespmem:s21], [sflag:$0x3], $0x80, $0x38;
	[tilespmem:$0x10280] =	vst v63  }
0x131: {  	_ =	swait.ge [sflag:s12], $0x80  }
0x132: {  	[sflag:s12] =	ssyncset.done $0x0  }
0x133: {  	[sflag:s12] =	ssyncadd.s32 $0xFFFFFF80  }
0x134: {  	_ =	sfence.sel $0x180000  }
0x135: {  	[bflag:$0x0] =	sbarrier.arrive $0xFFFF  }
0x136: {  	p0 =	sne.s32 s1, $0x0;
	_ =	strace $0x90000047  }
0x137: {  	s0 =	sadd.s32 @!p0 $0x100000, s0;
	[bflag:$0x2] =	sbarrier.arrive $0xFFFF  }
0x138: {  	[sflag:s0] =	ssyncadd.tile.s32 @!p0 $0x1;
	_ =	shalt  }
.Lfunc_end2:
_tile_overlayer_lowered:
.L_overlay_start_2:
0x139: {  	(tag) =	ssettag $0x2  }
0x13a: {  	s0 =	rddreg [dreg:$0x0];
	s2 =	stileid.u32  }
0x13b: {  	s1 =	rddreg [dreg:$0x1];
	p0 =	sne.s32 s2, $0x0  }
0x13c: {  	s3 =	rddreg [dreg:$0x2];
	[bflag:$0x3] =	sbarrier.arrive $0xFFFF;
	s2 =	simm.s32 @!p0 $0x1C03  }
0x13d: {  	[timem:s3], [sflag:s2] =	dma.local @!p0 [hbm:s0], s1  }
0x13e: {  	s0 =	simm.s32 @!p0 $0x3  }
0x13f: {  	_ =	swait.ge @!p0 [sflag:s0], s1  }
0x140: {  	s1 =	ssub.s32 @!p0 $0x0, s1;
	[sflag:s0] =	ssyncset.done @!p0 $0x0  }
0x141: {  	[sflag:s0] =	ssyncadd.s32 @!p0 s1  }
0x142: {  	[bflag:$0x3] =	sbarrier.arrive $0xFFFF  }
0x143: {  	_ =	shalt  }

</sc_bundles>
